<compile_context>
chip_gen: v7x
topology: tpu7x:2x2x1
jax: 0.10.2.dev20260603
libtpu: 0.0.44.dev20260713+nightly
codegen_flags: <defaults>
</compile_context>

<pallas_src>
import functools

import jax
import jax.numpy as jnp
from jax import lax
from jax.experimental import pallas as pl
from jax.experimental.pallas import tpu as pltpu
from jax.experimental.pallas import tpu_sc as plsc

_INFO = plsc.get_sparse_core_info()
_NC, _NS, _L = _INFO.num_cores, _INFO.num_subcores, _INFO.num_lanes
_NW = _NC * _NS


def kernel(x, T, emb):
    B, S, H = x.shape
    rows_t = S // _NW
    R = 8
    nch = rows_t // R
    cpr = H // _L

    er = emb[:S]

    @functools.partial(
        pl.kernel,
        out_type=jax.ShapeDtypeStruct((B, S, H), jnp.float32),
        mesh=plsc.VectorSubcoreMesh(core_axis_name="c", subcore_axis_name="s"),
        scratch_types=[
            pltpu.VMEM((3, R, H), jnp.float32),
            pltpu.VMEM((3, B, R, H), jnp.float32),
            pltpu.SemaphoreType.DMA,
            pltpu.SemaphoreType.DMA,
            pltpu.SemaphoreType.DMA,
            pltpu.SemaphoreType.DMA,
            pltpu.SemaphoreType.DMA,
            pltpu.SemaphoreType.DMA,
            pltpu.SemaphoreType.DMA,
            pltpu.SemaphoreType.DMA,
            pltpu.SemaphoreType.DMA,
        ],
    )
    def sc_add(x_hbm, er_hbm, o_hbm, e_buf, x_buf,
               e_sem0, e_sem1, e_sem2, in_sem0, in_sem1, in_sem2,
               out_sem0, out_sem1, out_sem2):
        wid = lax.axis_index("s") * _NC + lax.axis_index("c")
        t0 = wid * rows_t

        e_sems = (e_sem0, e_sem1, e_sem2)
        in_sems = (in_sem0, in_sem1, in_sem2)
        out_sems = (out_sem0, out_sem1, out_sem2)

        def issue_loads(s, p):
            t = t0 + s * R
            pltpu.async_copy(er_hbm.at[pl.ds(t, R), :], e_buf.at[p], e_sems[p])
            pltpu.async_copy(
                x_hbm.at[:, pl.ds(t, R), :], x_buf.at[p], in_sems[p])

        def wait_loads(s, p):
            t = t0 + s * R
            pltpu.make_async_copy(
                er_hbm.at[pl.ds(t, R), :], e_buf.at[p], e_sems[p]).wait()
            pltpu.make_async_copy(
                x_hbm.at[:, pl.ds(t, R), :], x_buf.at[p], in_sems[p]).wait()

        def issue_stores(s, p):
            t = t0 + s * R
            pltpu.async_copy(
                x_buf.at[p], o_hbm.at[:, pl.ds(t, R), :], out_sems[p])

        def wait_stores(s, p):
            t = t0 + s * R
            pltpu.make_async_copy(
                x_buf.at[p], o_hbm.at[:, pl.ds(t, R), :], out_sems[p]).wait()

        issue_loads(0, 0)
        issue_loads(1, 1)

        def do_step(s, p):
            q = (p + 2) % 3

            @pl.when(s + 2 < nch)
            def _():
                @pl.when(s >= 1)
                def _():
                    wait_stores(s - 1, q)
                issue_loads(s + 2, q)

            wait_loads(s, p)

            @plsc.parallel_loop(0, R * cpr, step=1, unroll=4)
            def _add(i2):
                r = i2 // cpr
                col = (i2 % cpr) * _L
                ve = e_buf[p, r, pl.ds(col, _L)]
                for b in range(B):
                    plsc.addupdate(x_buf.at[p, b, r, pl.ds(col, _L)], ve)

            issue_stores(s, p)

        @pl.loop(0, nch - (nch % 3), step=3)
        def _steps(s0):
            for k in range(3):
                do_step(s0 + k, k)

        for s in range(nch - (nch % 3), nch):
            do_step(s, s % 3)

        for s in range(nch - 3, nch):
            wait_stores(s, s % 3)

    return sc_add(x, er)

# --- scband reference (transcript-rebuilt; emitter-appended) ---
"""Pipeline reference for scband-positional-encoding-35476429865425 (READ-ONLY COPY).

The authoritative reference and input builder live on the scoring server;
editing this copy changes nothing except your own understanding.
"""

import jax, jax.numpy as jnp
import numpy as np

N_HID = 1024
MAX_LEN = 2048
BATCH = 4
SEQ = 2048

def setup_inputs(seed: int = 0) -> dict:
    key = jax.random.key(seed)
    k1, k2 = jax.random.split(key)
    x = jax.random.normal(k1, (BATCH, SEQ, N_HID), dtype=jnp.float32)
    # learned positional embedding table (nn.Embedding(max_len, n_hid))
    emb = jax.random.normal(k2, (MAX_LEN, N_HID), dtype=jnp.float32) * 0.02
    T = SEQ
    return {"x": x, "T": T, "emb": emb}

def reference(x, T, emb):
    # t = torch.arange(T); enc = self.emb(t); enc = enc.expand_as(x); return x + enc
    t = jnp.arange(x.shape[1]) + (T - x.shape[1])
    enc = jnp.take(emb, t, axis=0)          # gather -> [T, n_hid]
    enc = jnp.broadcast_to(enc, x.shape)    # expand_as -> [B, T, n_hid]
    return x + enc

if __name__ == "__main__":
    import jax
    _d = setup_inputs()
    print(jax.jit(kernel)(*tuple(_d.values())))

</pallas_src>

<mosaic_0001>
#map = affine_map<(d0, d1) -> (0, 0, 0)>
#map1 = affine_map<(d0, d1) -> (0, 0)>
module attributes {stable_mosaic.version = 14 : i64} {
  func.func @sc_add(%arg0: i32, %arg1: i32, %arg2: memref<4x2048x1024xf32, #tpu.memory_space<hbm>>, %arg3: memref<2048x1024xf32, #tpu.memory_space<hbm>>, %arg4: memref<4x2048x1024xf32, #tpu.memory_space<hbm>>, %arg5: memref<3x8x1024xf32, #tpu.memory_space<vmem>>, %arg6: memref<3x4x8x1024xf32, #tpu.memory_space<vmem>>, %arg7: memref<!tpu.dma_semaphore, #tpu.memory_space<semaphore_mem>>, %arg8: memref<!tpu.dma_semaphore, #tpu.memory_space<semaphore_mem>>, %arg9: memref<!tpu.dma_semaphore, #tpu.memory_space<semaphore_mem>>, %arg10: memref<!tpu.dma_semaphore, #tpu.memory_space<semaphore_mem>>, %arg11: memref<!tpu.dma_semaphore, #tpu.memory_space<semaphore_mem>>, %arg12: memref<!tpu.dma_semaphore, #tpu.memory_space<semaphore_mem>>, %arg13: memref<!tpu.dma_semaphore, #tpu.memory_space<semaphore_mem>>, %arg14: memref<!tpu.dma_semaphore, #tpu.memory_space<semaphore_mem>>, %arg15: memref<!tpu.dma_semaphore, #tpu.memory_space<semaphore_mem>>) attributes {dimension_semantics = [#tpu.dimension_semantics<core_parallel>, #tpu.dimension_semantics<subcore_parallel>], iteration_bounds = array<i64: 2, 16>, scalar_prefetch = 0 : i64, scratch_operands = 11 : i64, tpu.core_type = #tpu.core_type<sc_vector_subcore>, window_params = [{transform_indices = #map}, {transform_indices = #map1}, {transform_indices = #map}]} {
    %mul3A = arith.constant 2 : i32
    %mul3A_0 = arith.muli %arg1, %mul3A : i32
    %add3A = arith.addi %mul3A_0, %arg0 : i32
    %mul3A_1 = arith.constant 64 : i32
    %mul3A_2 = arith.muli %add3A, %mul3A_1 : i32
    %add3A_3 = arith.constant 0 : i32
    %add3A_4 = arith.addi %mul3A_2, %add3A_3 : i32
    %dma_start3A = arith.constant 0 : i32
    %dma_start3A_5 = arith.constant 0 : i32
    %dma_start3A_6 = arith.constant 0 : i32
    %dma_start3A_7 = tpu.memref_slice %arg5[%dma_start3A, %dma_start3A_5, %dma_start3A_6] : memref<3x8x1024xf32, #tpu.memory_space<vmem>> -> memref<1x8x1024xf32, #tpu.memory_space<vmem>>
    %dma_start3A_8 = tpu.memref_squeeze %dma_start3A_7 : memref<1x8x1024xf32, #tpu.memory_space<vmem>> -> memref<8x1024xf32, #tpu.memory_space<vmem>>
    %dma_start3A_9 = arith.constant 0 : i32
    %dma_start3A_10 = tpu.memref_slice %arg3[%add3A_4, %dma_start3A_9] : memref<2048x1024xf32, #tpu.memory_space<hbm>> -> memref<8x1024xf32, #tpu.memory_space<hbm>>
    %dma_start3A_11 = arith.constant 0 : i32
    %dma_start3A_12 = arith.constant 0 : i32
    %dma_start3A_13 = tpu.memref_slice %arg5[%dma_start3A, %dma_start3A_11, %dma_start3A_12] : memref<3x8x1024xf32, #tpu.memory_space<vmem>> -> memref<1x8x1024xf32, #tpu.memory_space<vmem>>
    %dma_start3A_14 = tpu.memref_squeeze %dma_start3A_13 : memref<1x8x1024xf32, #tpu.memory_space<vmem>> -> memref<8x1024xf32, #tpu.memory_space<vmem>>
    %dma_start3A_15 = arith.constant 0 : i32
    %dma_start3A_16 = tpu.memref_slice %arg3[%add3A_4, %dma_start3A_15] : memref<2048x1024xf32, #tpu.memory_space<hbm>> -> memref<8x1024xf32, #tpu.memory_space<hbm>>
    tpu.enqueue_dma source(%dma_start3A_16 : memref<8x1024xf32, #tpu.memory_space<hbm>>) target(%dma_start3A_14 : memref<8x1024xf32, #tpu.memory_space<vmem>>) target_semaphore(%arg7 : memref<!tpu.dma_semaphore, #tpu.memory_space<semaphore_mem>>)
    %dma_start3A_17 = arith.constant 0 : i32
    %dma_start3A_18 = arith.constant 0 : i32
    %dma_start3A_19 = arith.constant 0 : i32
    %dma_start3A_20 = arith.constant 0 : i32
    %dma_start3A_21 = tpu.memref_slice %arg6[%dma_start3A_17, %dma_start3A_18, %dma_start3A_19, %dma_start3A_20] : memref<3x4x8x1024xf32, #tpu.memory_space<vmem>> -> memref<1x4x8x1024xf32, #tpu.memory_space<vmem>>
    %dma_start3A_22 = tpu.memref_squeeze %dma_start3A_21 : memref<1x4x8x1024xf32, #tpu.memory_space<vmem>> -> memref<4x8x1024xf32, #tpu.memory_space<vmem>>
    %dma_start3A_23 = arith.constant 0 : i32
    %dma_start3A_24 = arith.constant 0 : i32
    %dma_start3A_25 = tpu.memref_slice %arg2[%dma_start3A_23, %add3A_4, %dma_start3A_24] : memref<4x2048x1024xf32, #tpu.memory_space<hbm>> -> memref<4x8x1024xf32, #tpu.memory_space<hbm>>
    %dma_start3A_26 = arith.constant 0 : i32
    %dma_start3A_27 = arith.constant 0 : i32
    %dma_start3A_28 = arith.constant 0 : i32
    %dma_start3A_29 = tpu.memref_slice %arg6[%dma_start3A_17, %dma_start3A_26, %dma_start3A_27, %dma_start3A_28] : memref<3x4x8x1024xf32, #tpu.memory_space<vmem>> -> memref<1x4x8x1024xf32, #tpu.memory_space<vmem>>
    %dma_start3A_30 = tpu.memref_squeeze %dma_start3A_29 : memref<1x4x8x1024xf32, #tpu.memory_space<vmem>> -> memref<4x8x1024xf32, #tpu.memory_space<vmem>>
    %dma_start3A_31 = arith.constant 0 : i32
    %dma_start3A_32 = arith.constant 0 : i32
    %dma_start3A_33 = tpu.memref_slice %arg2[%dma_start3A_31, %add3A_4, %dma_start3A_32] : memref<4x2048x1024xf32, #tpu.memory_space<hbm>> -> memref<4x8x1024xf32, #tpu.memory_space<hbm>>
    tpu.enqueue_dma source(%dma_start3A_33 : memref<4x8x1024xf32, #tpu.memory_space<hbm>>) target(%dma_start3A_30 : memref<4x8x1024xf32, #tpu.memory_space<vmem>>) target_semaphore(%arg10 : memref<!tpu.dma_semaphore, #tpu.memory_space<semaphore_mem>>)
    %add3A_34 = arith.constant 8 : i32
    %add3A_35 = arith.addi %mul3A_2, %add3A_34 : i32
    %dma_start3A_36 = arith.constant 1 : i32
    %dma_start3A_37 = arith.constant 0 : i32
    %dma_start3A_38 = arith.constant 0 : i32
    %dma_start3A_39 = tpu.memref_slice %arg5[%dma_start3A_36, %dma_start3A_37, %dma_start3A_38] : memref<3x8x1024xf32, #tpu.memory_space<vmem>> -> memref<1x8x1024xf32, #tpu.memory_space<vmem>>
    %dma_start3A_40 = tpu.memref_squeeze %dma_start3A_39 : memref<1x8x1024xf32, #tpu.memory_space<vmem>> -> memref<8x1024xf32, #tpu.memory_space<vmem>>
    %dma_start3A_41 = arith.constant 0 : i32
    %dma_start3A_42 = tpu.memref_slice %arg3[%add3A_35, %dma_start3A_41] : memref<2048x1024xf32, #tpu.memory_space<hbm>> -> memref<8x1024xf32, #tpu.memory_space<hbm>>
    %dma_start3A_43 = arith.constant 0 : i32
    %dma_start3A_44 = arith.constant 0 : i32
    %dma_start3A_45 = tpu.memref_slice %arg5[%dma_start3A_36, %dma_start3A_43, %dma_start3A_44] : memref<3x8x1024xf32, #tpu.memory_space<vmem>> -> memref<1x8x1024xf32, #tpu.memory_space<vmem>>
    %dma_start3A_46 = tpu.memref_squeeze %dma_start3A_45 : memref<1x8x1024xf32, #tpu.memory_space<vmem>> -> memref<8x1024xf32, #tpu.memory_space<vmem>>
    %dma_start3A_47 = arith.constant 0 : i32
    %dma_start3A_48 = tpu.memref_slice %arg3[%add3A_35, %dma_start3A_47] : memref<2048x1024xf32, #tpu.memory_space<hbm>> -> memref<8x1024xf32, #tpu.memory_space<hbm>>
    tpu.enqueue_dma source(%dma_start3A_48 : memref<8x1024xf32, #tpu.memory_space<hbm>>) target(%dma_start3A_46 : memref<8x1024xf32, #tpu.memory_space<vmem>>) target_semaphore(%arg8 : memref<!tpu.dma_semaphore, #tpu.memory_space<semaphore_mem>>)
    %dma_start3A_49 = arith.constant 1 : i32
    %dma_start3A_50 = arith.constant 0 : i32
    %dma_start3A_51 = arith.constant 0 : i32
    %dma_start3A_52 = arith.constant 0 : i32
    %dma_start3A_53 = tpu.memref_slice %arg6[%dma_start3A_49, %dma_start3A_50, %dma_start3A_51, %dma_start3A_52] : memref<3x4x8x1024xf32, #tpu.memory_space<vmem>> -> memref<1x4x8x1024xf32, #tpu.memory_space<vmem>>
    %dma_start3A_54 = tpu.memref_squeeze %dma_start3A_53 : memref<1x4x8x1024xf32, #tpu.memory_space<vmem>> -> memref<4x8x1024xf32, #tpu.memory_space<vmem>>
    %dma_start3A_55 = arith.constant 0 : i32
    %dma_start3A_56 = arith.constant 0 : i32
    %dma_start3A_57 = tpu.memref_slice %arg2[%dma_start3A_55, %add3A_35, %dma_start3A_56] : memref<4x2048x1024xf32, #tpu.memory_space<hbm>> -> memref<4x8x1024xf32, #tpu.memory_space<hbm>>
    %dma_start3A_58 = arith.constant 0 : i32
    %dma_start3A_59 = arith.constant 0 : i32
    %dma_start3A_60 = arith.constant 0 : i32
    %dma_start3A_61 = tpu.memref_slice %arg6[%dma_start3A_49, %dma_start3A_58, %dma_start3A_59, %dma_start3A_60] : memref<3x4x8x1024xf32, #tpu.memory_space<vmem>> -> memref<1x4x8x1024xf32, #tpu.memory_space<vmem>>
    %dma_start3A_62 = tpu.memref_squeeze %dma_start3A_61 : memref<1x4x8x1024xf32, #tpu.memory_space<vmem>> -> memref<4x8x1024xf32, #tpu.memory_space<vmem>>
    %dma_start3A_63 = arith.constant 0 : i32
    %dma_start3A_64 = arith.constant 0 : i32
    %dma_start3A_65 = tpu.memref_slice %arg2[%dma_start3A_63, %add3A_35, %dma_start3A_64] : memref<4x2048x1024xf32, #tpu.memory_space<hbm>> -> memref<4x8x1024xf32, #tpu.memory_space<hbm>>
    tpu.enqueue_dma source(%dma_start3A_65 : memref<4x8x1024xf32, #tpu.memory_space<hbm>>) target(%dma_start3A_62 : memref<4x8x1024xf32, #tpu.memory_space<vmem>>) target_semaphore(%arg11 : memref<!tpu.dma_semaphore, #tpu.memory_space<semaphore_mem>>)
    %scan3A = arith.constant 0 : i32
    %scan3A_66 = arith.constant 2 : i32
    %scan3A_67 = arith.addi %scan3A, %scan3A_66 : i32
    %scan3A_68 = arith.constant 1 : i32
    scf.for %scan3A_233 = %scan3A to %scan3A_67 step %scan3A_68  : i32 {
      %mul3A_234 = arith.constant 3 : i32
      %mul3A_235 = arith.muli %scan3A_233, %mul3A_234 : i32
      %add3A_236 = arith.constant 0 : i32
      %add3A_237 = arith.addi %add3A_236, %mul3A_235 : i32
      %add3A_238 = arith.constant 0 : i32
      %add3A_239 = arith.addi %add3A_237, %add3A_238 : i32
      %add3A_240 = arith.constant 2 : i32
      %add3A_241 = arith.addi %add3A_239, %add3A_240 : i32
      %lt3A = arith.constant 8 : i32
      %lt3A_242 = arith.cmpi slt, %add3A_241, %lt3A : i32
      %convert_element_type3A = arith.extui %lt3A_242 : i1 to i32
      %cond3A = arith.constant 0 : i32
      %cond3A_243 = arith.cmpi ne, %convert_element_type3A, %cond3A : i32
      scf.if %cond3A_243 {
        %ge3A = arith.constant 1 : i32
        %ge3A_430 = arith.cmpi sge, %add3A_239, %ge3A : i32
        %convert_element_type3A_431 = arith.extui %ge3A_430 : i1 to i32
        %cond3A_432 = arith.constant 0 : i32
        %cond3A_433 = arith.cmpi ne, %convert_element_type3A_431, %cond3A_432 : i32
        scf.if %cond3A_433 {
          %sub3A = arith.constant 1 : i32
          %sub3A_469 = arith.subi %add3A_239, %sub3A : i32
          %mul3A_470 = arith.constant 8 : i32
          %mul3A_471 = arith.muli %sub3A_469, %mul3A_470 : i32
          %add3A_472 = arith.addi %mul3A_2, %mul3A_471 : i32
          %dma_wait3A_473 = arith.constant 2 : i32
          %dma_wait3A_474 = arith.constant 0 : i32
          %dma_wait3A_475 = arith.constant 0 : i32
          %dma_wait3A_476 = arith.constant 0 : i32
          %dma_wait3A_477 = tpu.memref_slice %arg6[%dma_wait3A_473, %dma_wait3A_474, %dma_wait3A_475, %dma_wait3A_476] : memref<3x4x8x1024xf32, #tpu.memory_space<vmem>> -> memref<1x4x8x1024xf32, #tpu.memory_space<vmem>>
          %dma_wait3A_478 = tpu.memref_squeeze %dma_wait3A_477 : memref<1x4x8x1024xf32, #tpu.memory_space<vmem>> -> memref<4x8x1024xf32, #tpu.memory_space<vmem>>
          %dma_wait3A_479 = arith.constant 0 : i32
          %dma_wait3A_480 = arith.constant 0 : i32
          %dma_wait3A_481 = tpu.memref_slice %arg4[%dma_wait3A_479, %add3A_472, %dma_wait3A_480] : memref<4x2048x1024xf32, #tpu.memory_space<hbm>> -> memref<4x8x1024xf32, #tpu.memory_space<hbm>>
          %dma_wait3A_482 = arith.constant 0 : i32
          %dma_wait3A_483 = arith.constant 0 : i32
          %dma_wait3A_484 = tpu.memref_slice %arg4[%dma_wait3A_482, %add3A_472, %dma_wait3A_483] : memref<4x2048x1024xf32, #tpu.memory_space<hbm>> -> memref<4x8x1024xf32, #tpu.memory_space<hbm>>
          %dma_wait3A_485 = arith.constant 0 : i32
          %dma_wait3A_486 = arith.constant 0 : i32
          %dma_wait3A_487 = arith.constant 0 : i32
          %dma_wait3A_488 = tpu.memref_slice %arg6[%dma_wait3A_473, %dma_wait3A_485, %dma_wait3A_486, %dma_wait3A_487] : memref<3x4x8x1024xf32, #tpu.memory_space<vmem>> -> memref<1x4x8x1024xf32, #tpu.memory_space<vmem>>
          %dma_wait3A_489 = tpu.memref_squeeze %dma_wait3A_488 : memref<1x4x8x1024xf32, #tpu.memory_space<vmem>> -> memref<4x8x1024xf32, #tpu.memory_space<vmem>>
          tpu.wait_dma2 semaphore(%arg15 : memref<!tpu.dma_semaphore, #tpu.memory_space<semaphore_mem>>) src(%dma_wait3A_489 : memref<4x8x1024xf32, #tpu.memory_space<vmem>>) dst(%dma_wait3A_484 : memref<4x8x1024xf32, #tpu.memory_space<hbm>>)
        } else {
        }
        %add3A_434 = arith.constant 2 : i32
        %add3A_435 = arith.addi %add3A_239, %add3A_434 : i32
        %mul3A_436 = arith.constant 8 : i32
        %mul3A_437 = arith.muli %add3A_435, %mul3A_436 : i32
        %add3A_438 = arith.addi %mul3A_2, %mul3A_437 : i32
        %dma_start3A_439 = arith.constant 2 : i32
        %dma_start3A_440 = arith.constant 0 : i32
        %dma_start3A_441 = arith.constant 0 : i32
        %dma_start3A_442 = tpu.memref_slice %arg5[%dma_start3A_439, %dma_start3A_440, %dma_start3A_441] : memref<3x8x1024xf32, #tpu.memory_space<vmem>> -> memref<1x8x1024xf32, #tpu.memory_space<vmem>>
        %dma_start3A_443 = tpu.memref_squeeze %dma_start3A_442 : memref<1x8x1024xf32, #tpu.memory_space<vmem>> -> memref<8x1024xf32, #tpu.memory_space<vmem>>
        %dma_start3A_444 = arith.constant 0 : i32
        %dma_start3A_445 = tpu.memref_slice %arg3[%add3A_438, %dma_start3A_444] : memref<2048x1024xf32, #tpu.memory_space<hbm>> -> memref<8x1024xf32, #tpu.memory_space<hbm>>
        %dma_start3A_446 = arith.constant 0 : i32
        %dma_start3A_447 = arith.constant 0 : i32
        %dma_start3A_448 = tpu.memref_slice %arg5[%dma_start3A_439, %dma_start3A_446, %dma_start3A_447] : memref<3x8x1024xf32, #tpu.memory_space<vmem>> -> memref<1x8x1024xf32, #tpu.memory_space<vmem>>
        %dma_start3A_449 = tpu.memref_squeeze %dma_start3A_448 : memref<1x8x1024xf32, #tpu.memory_space<vmem>> -> memref<8x1024xf32, #tpu.memory_space<vmem>>
        %dma_start3A_450 = arith.constant 0 : i32
        %dma_start3A_451 = tpu.memref_slice %arg3[%add3A_438, %dma_start3A_450] : memref<2048x1024xf32, #tpu.memory_space<hbm>> -> memref<8x1024xf32, #tpu.memory_space<hbm>>
        tpu.enqueue_dma source(%dma_start3A_451 : memref<8x1024xf32, #tpu.memory_space<hbm>>) target(%dma_start3A_449 : memref<8x1024xf32, #tpu.memory_space<vmem>>) target_semaphore(%arg9 : memref<!tpu.dma_semaphore, #tpu.memory_space<semaphore_mem>>)
        %dma_start3A_452 = arith.constant 2 : i32
        %dma_start3A_453 = arith.constant 0 : i32
        %dma_start3A_454 = arith.constant 0 : i32
        %dma_start3A_455 = arith.constant 0 : i32
        %dma_start3A_456 = tpu.memref_slice %arg6[%dma_start3A_452, %dma_start3A_453, %dma_start3A_454, %dma_start3A_455] : memref<3x4x8x1024xf32, #tpu.memory_space<vmem>> -> memref<1x4x8x1024xf32, #tpu.memory_space<vmem>>
        %dma_start3A_457 = tpu.memref_squeeze %dma_start3A_456 : memref<1x4x8x1024xf32, #tpu.memory_space<vmem>> -> memref<4x8x1024xf32, #tpu.memory_space<vmem>>
        %dma_start3A_458 = arith.constant 0 : i32
        %dma_start3A_459 = arith.constant 0 : i32
        %dma_start3A_460 = tpu.memref_slice %arg2[%dma_start3A_458, %add3A_438, %dma_start3A_459] : memref<4x2048x1024xf32, #tpu.memory_space<hbm>> -> memref<4x8x1024xf32, #tpu.memory_space<hbm>>
        %dma_start3A_461 = arith.constant 0 : i32
        %dma_start3A_462 = arith.constant 0 : i32
        %dma_start3A_463 = arith.constant 0 : i32
        %dma_start3A_464 = tpu.memref_slice %arg6[%dma_start3A_452, %dma_start3A_461, %dma_start3A_462, %dma_start3A_463] : memref<3x4x8x1024xf32, #tpu.memory_space<vmem>> -> memref<1x4x8x1024xf32, #tpu.memory_space<vmem>>
        %dma_start3A_465 = tpu.memref_squeeze %dma_start3A_464 : memref<1x4x8x1024xf32, #tpu.memory_space<vmem>> -> memref<4x8x1024xf32, #tpu.memory_space<vmem>>
        %dma_start3A_466 = arith.constant 0 : i32
        %dma_start3A_467 = arith.constant 0 : i32
        %dma_start3A_468 = tpu.memref_slice %arg2[%dma_start3A_466, %add3A_438, %dma_start3A_467] : memref<4x2048x1024xf32, #tpu.memory_space<hbm>> -> memref<4x8x1024xf32, #tpu.memory_space<hbm>>
        tpu.enqueue_dma source(%dma_start3A_468 : memref<4x8x1024xf32, #tpu.memory_space<hbm>>) target(%dma_start3A_465 : memref<4x8x1024xf32, #tpu.memory_space<vmem>>) target_semaphore(%arg12 : memref<!tpu.dma_semaphore, #tpu.memory_space<semaphore_mem>>)
      } else {
      }
      %mul3A_244 = arith.constant 8 : i32
      %mul3A_245 = arith.muli %add3A_239, %mul3A_244 : i32
      %add3A_246 = arith.addi %mul3A_2, %mul3A_245 : i32
      %dma_wait3A_247 = arith.constant 0 : i32
      %dma_wait3A_248 = arith.constant 0 : i32
      %dma_wait3A_249 = arith.constant 0 : i32
      %dma_wait3A_250 = tpu.memref_slice %arg5[%dma_wait3A_247, %dma_wait3A_248, %dma_wait3A_249] : memref<3x8x1024xf32, #tpu.memory_space<vmem>> -> memref<1x8x1024xf32, #tpu.memory_space<vmem>>
      %dma_wait3A_251 = tpu.memref_squeeze %dma_wait3A_250 : memref<1x8x1024xf32, #tpu.memory_space<vmem>> -> memref<8x1024xf32, #tpu.memory_space<vmem>>
      %dma_wait3A_252 = arith.constant 0 : i32
      %dma_wait3A_253 = tpu.memref_slice %arg3[%add3A_246, %dma_wait3A_252] : memref<2048x1024xf32, #tpu.memory_space<hbm>> -> memref<8x1024xf32, #tpu.memory_space<hbm>>
      %dma_wait3A_254 = arith.constant 0 : i32
      %dma_wait3A_255 = arith.constant 0 : i32
      %dma_wait3A_256 = tpu.memref_slice %arg5[%dma_wait3A_247, %dma_wait3A_254, %dma_wait3A_255] : memref<3x8x1024xf32, #tpu.memory_space<vmem>> -> memref<1x8x1024xf32, #tpu.memory_space<vmem>>
      %dma_wait3A_257 = tpu.memref_squeeze %dma_wait3A_256 : memref<1x8x1024xf32, #tpu.memory_space<vmem>> -> memref<8x1024xf32, #tpu.memory_space<vmem>>
      %dma_wait3A_258 = arith.constant 0 : i32
      %dma_wait3A_259 = tpu.memref_slice %arg3[%add3A_246, %dma_wait3A_258] : memref<2048x1024xf32, #tpu.memory_space<hbm>> -> memref<8x1024xf32, #tpu.memory_space<hbm>>
      tpu.wait_dma2 semaphore(%arg7 : memref<!tpu.dma_semaphore, #tpu.memory_space<semaphore_mem>>) src(%dma_wait3A_259 : memref<8x1024xf32, #tpu.memory_space<hbm>>) dst(%dma_wait3A_257 : memref<8x1024xf32, #tpu.memory_space<vmem>>)
      %dma_wait3A_260 = arith.constant 0 : i32
      %dma_wait3A_261 = arith.constant 0 : i32
      %dma_wait3A_262 = arith.constant 0 : i32
      %dma_wait3A_263 = arith.constant 0 : i32
      %dma_wait3A_264 = tpu.memref_slice %arg6[%dma_wait3A_260, %dma_wait3A_261, %dma_wait3A_262, %dma_wait3A_263] : memref<3x4x8x1024xf32, #tpu.memory_space<vmem>> -> memref<1x4x8x1024xf32, #tpu.memory_space<vmem>>
      %dma_wait3A_265 = tpu.memref_squeeze %dma_wait3A_264 : memref<1x4x8x1024xf32, #tpu.memory_space<vmem>> -> memref<4x8x1024xf32, #tpu.memory_space<vmem>>
      %dma_wait3A_266 = arith.constant 0 : i32
      %dma_wait3A_267 = arith.constant 0 : i32
      %dma_wait3A_268 = tpu.memref_slice %arg2[%dma_wait3A_266, %add3A_246, %dma_wait3A_267] : memref<4x2048x1024xf32, #tpu.memory_space<hbm>> -> memref<4x8x1024xf32, #tpu.memory_space<hbm>>
      %dma_wait3A_269 = arith.constant 0 : i32
      %dma_wait3A_270 = arith.constant 0 : i32
      %dma_wait3A_271 = arith.constant 0 : i32
      %dma_wait3A_272 = tpu.memref_slice %arg6[%dma_wait3A_260, %dma_wait3A_269, %dma_wait3A_270, %dma_wait3A_271] : memref<3x4x8x1024xf32, #tpu.memory_space<vmem>> -> memref<1x4x8x1024xf32, #tpu.memory_space<vmem>>
      %dma_wait3A_273 = tpu.memref_squeeze %dma_wait3A_272 : memref<1x4x8x1024xf32, #tpu.memory_space<vmem>> -> memref<4x8x1024xf32, #tpu.memory_space<vmem>>
      %dma_wait3A_274 = arith.constant 0 : i32
      %dma_wait3A_275 = arith.constant 0 : i32
      %dma_wait3A_276 = tpu.memref_slice %arg2[%dma_wait3A_274, %add3A_246, %dma_wait3A_275] : memref<4x2048x1024xf32, #tpu.memory_space<hbm>> -> memref<4x8x1024xf32, #tpu.memory_space<hbm>>
      tpu.wait_dma2 semaphore(%arg10 : memref<!tpu.dma_semaphore, #tpu.memory_space<semaphore_mem>>) src(%dma_wait3A_276 : memref<4x8x1024xf32, #tpu.memory_space<hbm>>) dst(%dma_wait3A_273 : memref<4x8x1024xf32, #tpu.memory_space<vmem>>)
      %parallel_loop3A_277 = arith.constant 0 : i32
      %parallel_loop3A_278 = arith.constant 512 : i32
      %parallel_loop3A_279 = arith.constant 1 : i32
      scf.for %parallel_loop3A_430 = %parallel_loop3A_277 to %parallel_loop3A_278 step %parallel_loop3A_279  : i32 {
        %parallel_loop3A_431 = arith.constant 64 : i32
        %parallel_loop3A_432 = arith.divsi %parallel_loop3A_430, %parallel_loop3A_431 : i32
        %parallel_loop3A_433 = arith.constant 0 : i32
        %parallel_loop3A_434 = arith.cmpi sgt, %parallel_loop3A_430, %parallel_loop3A_433 : i32
        %parallel_loop3A_435 = arith.extui %parallel_loop3A_434 : i1 to i32
        %parallel_loop3A_436 = arith.constant 0 : i32
        %parallel_loop3A_437 = arith.cmpi slt, %parallel_loop3A_430, %parallel_loop3A_436 : i32
        %parallel_loop3A_438 = arith.extui %parallel_loop3A_437 : i1 to i32
        %parallel_loop3A_439 = arith.subi %parallel_loop3A_435, %parallel_loop3A_438 : i32
        %parallel_loop3A_440 = arith.constant 0 : i32
        %parallel_loop3A_441 = arith.cmpi sgt, %parallel_loop3A_431, %parallel_loop3A_440 : i32
        %parallel_loop3A_442 = arith.extui %parallel_loop3A_441 : i1 to i32
        %parallel_loop3A_443 = arith.constant 0 : i32
        %parallel_loop3A_444 = arith.cmpi slt, %parallel_loop3A_431, %parallel_loop3A_443 : i32
        %parallel_loop3A_445 = arith.extui %parallel_loop3A_444 : i1 to i32
        %parallel_loop3A_446 = arith.subi %parallel_loop3A_442, %parallel_loop3A_445 : i32
        %parallel_loop3A_447 = arith.cmpi ne, %parallel_loop3A_439, %parallel_loop3A_446 : i32
        %parallel_loop3A_448 = arith.remsi %parallel_loop3A_430, %parallel_loop3A_431 : i32
        %parallel_loop3A_449 = arith.constant 0 : i32
        %parallel_loop3A_450 = arith.cmpi ne, %parallel_loop3A_448, %parallel_loop3A_449 : i32
        %parallel_loop3A_451 = arith.andi %parallel_loop3A_447, %parallel_loop3A_450 : i1
        %parallel_loop3A_452 = arith.constant 1 : i32
        %parallel_loop3A_453 = arith.subi %parallel_loop3A_432, %parallel_loop3A_452 : i32
        %parallel_loop3A_454 = arith.select %parallel_loop3A_451, %parallel_loop3A_453, %parallel_loop3A_432 : i32
        %parallel_loop3A_455 = arith.constant 64 : i32
        %parallel_loop3A_456 = arith.constant 0 : i32
        %parallel_loop3A_457 = arith.cmpi eq, %parallel_loop3A_455, %parallel_loop3A_456 : i32
        %parallel_loop3A_458 = arith.constant 1 : i32
        %parallel_loop3A_459 = arith.select %parallel_loop3A_457, %parallel_loop3A_458, %parallel_loop3A_455 : i32
        %parallel_loop3A_460 = arith.remsi %parallel_loop3A_430, %parallel_loop3A_459 : i32
        %parallel_loop3A_461 = arith.constant 0 : i32
        %parallel_loop3A_462 = arith.cmpi ne, %parallel_loop3A_460, %parallel_loop3A_461 : i32
        %parallel_loop3A_463 = arith.constant 0 : i32
        %parallel_loop3A_464 = arith.cmpi slt, %parallel_loop3A_460, %parallel_loop3A_463 : i32
        %parallel_loop3A_465 = arith.constant 0 : i32
        %parallel_loop3A_466 = arith.cmpi slt, %parallel_loop3A_459, %parallel_loop3A_465 : i32
        %parallel_loop3A_467 = arith.xori %parallel_loop3A_464, %parallel_loop3A_466 : i1
        %parallel_loop3A_468 = arith.andi %parallel_loop3A_467, %parallel_loop3A_462 : i1
        %parallel_loop3A_469 = arith.addi %parallel_loop3A_460, %parallel_loop3A_459 : i32
        %parallel_loop3A_470 = arith.select %parallel_loop3A_468, %parallel_loop3A_469, %parallel_loop3A_460 : i32
        %parallel_loop3A_471 = arith.constant 16 : i32
        %parallel_loop3A_472 = arith.muli %parallel_loop3A_470, %parallel_loop3A_471 : i32
        %parallel_loop3A_473 = arith.constant 0 : i32
        %parallel_loop3A_474 = arith.index_cast %parallel_loop3A_473 : i32 to index
        %parallel_loop3A_475 = arith.index_cast %parallel_loop3A_454 : i32 to index
        %parallel_loop3A_476 = arith.index_cast %parallel_loop3A_472 : i32 to index
        %parallel_loop3A_477 = tpu.vector_load %arg5[%parallel_loop3A_474, %parallel_loop3A_475, %parallel_loop3A_476] {strides = array<i32>} : memref<3x8x1024xf32, #tpu.memory_space<vmem>>, vector<1x1x16xf32>,
        %parallel_loop3A_478 = vector.shape_cast %parallel_loop3A_477 : vector<1x1x16xf32> to vector<16xf32>
        %parallel_loop3A_479 = arith.constant 0 : i32
        %parallel_loop3A_480 = arith.constant 0 : i32
        %parallel_loop3A_481 = arith.index_cast %parallel_loop3A_479 : i32 to index
        %parallel_loop3A_482 = arith.index_cast %parallel_loop3A_480 : i32 to index
        %parallel_loop3A_483 = arith.index_cast %parallel_loop3A_454 : i32 to index
        %parallel_loop3A_484 = arith.index_cast %parallel_loop3A_472 : i32 to index
        %parallel_loop3A_485 = tpu.vector_load %arg6[%parallel_loop3A_481, %parallel_loop3A_482, %parallel_loop3A_483, %parallel_loop3A_484] {strides = array<i32>} : memref<3x4x8x1024xf32, #tpu.memory_space<vmem>>, vector<1x1x1x16xf32>,
        %parallel_loop3A_486 = vector.shape_cast %parallel_loop3A_485 : vector<1x1x1x16xf32> to vector<16xf32>
        %parallel_loop3A_487 = vector.shape_cast %parallel_loop3A_478 : vector<16xf32> to vector<1x1x1x16xf32>
        tpu.vector_store %arg6[%parallel_loop3A_481, %parallel_loop3A_482, %parallel_loop3A_483, %parallel_loop3A_484], %parallel_loop3A_487 {add = true, strides = array<i32>} : memref<3x4x8x1024xf32, #tpu.memory_space<vmem>>, vector<1x1x1x16xf32>,
        %parallel_loop3A_488 = arith.constant 0 : i32
        %parallel_loop3A_489 = arith.constant 1 : i32
        %parallel_loop3A_490 = arith.index_cast %parallel_loop3A_488 : i32 to index
        %parallel_loop3A_491 = arith.index_cast %parallel_loop3A_489 : i32 to index
        %parallel_loop3A_492 = arith.index_cast %parallel_loop3A_454 : i32 to index
        %parallel_loop3A_493 = arith.index_cast %parallel_loop3A_472 : i32 to index
        %parallel_loop3A_494 = tpu.vector_load %arg6[%parallel_loop3A_490, %parallel_loop3A_491, %parallel_loop3A_492, %parallel_loop3A_493] {strides = array<i32>} : memref<3x4x8x1024xf32, #tpu.memory_space<vmem>>, vector<1x1x1x16xf32>,
        %parallel_loop3A_495 = vector.shape_cast %parallel_loop3A_494 : vector<1x1x1x16xf32> to vector<16xf32>
        %parallel_loop3A_496 = vector.shape_cast %parallel_loop3A_478 : vector<16xf32> to vector<1x1x1x16xf32>
        tpu.vector_store %arg6[%parallel_loop3A_490, %parallel_loop3A_491, %parallel_loop3A_492, %parallel_loop3A_493], %parallel_loop3A_496 {add = true, strides = array<i32>} : memref<3x4x8x1024xf32, #tpu.memory_space<vmem>>, vector<1x1x1x16xf32>,
        %parallel_loop3A_497 = arith.constant 0 : i32
        %parallel_loop3A_498 = arith.constant 2 : i32
        %parallel_loop3A_499 = arith.index_cast %parallel_loop3A_497 : i32 to index
        %parallel_loop3A_500 = arith.index_cast %parallel_loop3A_498 : i32 to index
        %parallel_loop3A_501 = arith.index_cast %parallel_loop3A_454 : i32 to index
        %parallel_loop3A_502 = arith.index_cast %parallel_loop3A_472 : i32 to index
        %parallel_loop3A_503 = tpu.vector_load %arg6[%parallel_loop3A_499, %parallel_loop3A_500, %parallel_loop3A_501, %parallel_loop3A_502] {strides = array<i32>} : memref<3x4x8x1024xf32, #tpu.memory_space<vmem>>, vector<1x1x1x16xf32>,
        %parallel_loop3A_504 = vector.shape_cast %parallel_loop3A_503 : vector<1x1x1x16xf32> to vector<16xf32>
        %parallel_loop3A_505 = vector.shape_cast %parallel_loop3A_478 : vector<16xf32> to vector<1x1x1x16xf32>
        tpu.vector_store %arg6[%parallel_loop3A_499, %parallel_loop3A_500, %parallel_loop3A_501, %parallel_loop3A_502], %parallel_loop3A_505 {add = true, strides = array<i32>} : memref<3x4x8x1024xf32, #tpu.memory_space<vmem>>, vector<1x1x1x16xf32>,
        %parallel_loop3A_506 = arith.constant 0 : i32
        %parallel_loop3A_507 = arith.constant 3 : i32
        %parallel_loop3A_508 = arith.index_cast %parallel_loop3A_506 : i32 to index
        %parallel_loop3A_509 = arith.index_cast %parallel_loop3A_507 : i32 to index
        %parallel_loop3A_510 = arith.index_cast %parallel_loop3A_454 : i32 to index
        %parallel_loop3A_511 = arith.index_cast %parallel_loop3A_472 : i32 to index
        %parallel_loop3A_512 = tpu.vector_load %arg6[%parallel_loop3A_508, %parallel_loop3A_509, %parallel_loop3A_510, %parallel_loop3A_511] {strides = array<i32>} : memref<3x4x8x1024xf32, #tpu.memory_space<vmem>>, vector<1x1x1x16xf32>,
        %parallel_loop3A_513 = vector.shape_cast %parallel_loop3A_512 : vector<1x1x1x16xf32> to vector<16xf32>
        %parallel_loop3A_514 = vector.shape_cast %parallel_loop3A_478 : vector<16xf32> to vector<1x1x1x16xf32>
        tpu.vector_store %arg6[%parallel_loop3A_508, %parallel_loop3A_509, %parallel_loop3A_510, %parallel_loop3A_511], %parallel_loop3A_514 {add = true, strides = array<i32>} : memref<3x4x8x1024xf32, #tpu.memory_space<vmem>>, vector<1x1x1x16xf32>,
      } {sc.loop_unroll_factor = 4 : i64, sc.parallel_access}
      %mul3A_280 = arith.constant 8 : i32
      %mul3A_281 = arith.muli %add3A_239, %mul3A_280 : i32
      %add3A_282 = arith.addi %mul3A_2, %mul3A_281 : i32
      %dma_start3A_283 = arith.constant 0 : i32
      %dma_start3A_284 = arith.constant 0 : i32
      %dma_start3A_285 = arith.constant 0 : i32
      %dma_start3A_286 = arith.constant 0 : i32
      %dma_start3A_287 = tpu.memref_slice %arg6[%dma_start3A_283, %dma_start3A_284, %dma_start3A_285, %dma_start3A_286] : memref<3x4x8x1024xf32, #tpu.memory_space<vmem>> -> memref<1x4x8x1024xf32, #tpu.memory_space<vmem>>
      %dma_start3A_288 = tpu.memref_squeeze %dma_start3A_287 : memref<1x4x8x1024xf32, #tpu.memory_space<vmem>> -> memref<4x8x1024xf32, #tpu.memory_space<vmem>>
      %dma_start3A_289 = arith.constant 0 : i32
      %dma_start3A_290 = arith.constant 0 : i32
      %dma_start3A_291 = tpu.memref_slice %arg4[%dma_start3A_289, %add3A_282, %dma_start3A_290] : memref<4x2048x1024xf32, #tpu.memory_space<hbm>> -> memref<4x8x1024xf32, #tpu.memory_space<hbm>>
      %dma_start3A_292 = arith.constant 0 : i32
      %dma_start3A_293 = arith.constant 0 : i32
      %dma_start3A_294 = tpu.memref_slice %arg4[%dma_start3A_292, %add3A_282, %dma_start3A_293] : memref<4x2048x1024xf32, #tpu.memory_space<hbm>> -> memref<4x8x1024xf32, #tpu.memory_space<hbm>>
      %dma_start3A_295 = arith.constant 0 : i32
      %dma_start3A_296 = arith.constant 0 : i32
      %dma_start3A_297 = arith.constant 0 : i32
      %dma_start3A_298 = tpu.memref_slice %arg6[%dma_start3A_283, %dma_start3A_295, %dma_start3A_296, %dma_start3A_297] : memref<3x4x8x1024xf32, #tpu.memory_space<vmem>> -> memref<1x4x8x1024xf32, #tpu.memory_space<vmem>>
      %dma_start3A_299 = tpu.memref_squeeze %dma_start3A_298 : memref<1x4x8x1024xf32, #tpu.memory_space<vmem>> -> memref<4x8x1024xf32, #tpu.memory_space<vmem>>
      tpu.enqueue_dma source(%dma_start3A_299 : memref<4x8x1024xf32, #tpu.memory_space<vmem>>) target(%dma_start3A_294 : memref<4x8x1024xf32, #tpu.memory_space<hbm>>) target_semaphore(%arg13 : memref<!tpu.dma_semaphore, #tpu.memory_space<semaphore_mem>>)
      %add3A_300 = arith.constant 1 : i32
      %add3A_301 = arith.addi %add3A_237, %add3A_300 : i32
      %add3A_302 = arith.constant 2 : i32
      %add3A_303 = arith.addi %add3A_301, %add3A_302 : i32
      %lt3A_304 = arith.constant 8 : i32
      %lt3A_305 = arith.cmpi slt, %add3A_303, %lt3A_304 : i32
      %convert_element_type3A_306 = arith.extui %lt3A_305 : i1 to i32
      %cond3A_307 = arith.constant 0 : i32
      %cond3A_308 = arith.cmpi ne, %convert_element_type3A_306, %cond3A_307 : i32
      scf.if %cond3A_308 {
        %ge3A = arith.constant 1 : i32
        %ge3A_430 = arith.cmpi sge, %add3A_301, %ge3A : i32
        %convert_element_type3A_431 = arith.extui %ge3A_430 : i1 to i32
        %cond3A_432 = arith.constant 0 : i32
        %cond3A_433 = arith.cmpi ne, %convert_element_type3A_431, %cond3A_432 : i32
        scf.if %cond3A_433 {
          %sub3A = arith.constant 1 : i32
          %sub3A_469 = arith.subi %add3A_301, %sub3A : i32
          %mul3A_470 = arith.constant 8 : i32
          %mul3A_471 = arith.muli %sub3A_469, %mul3A_470 : i32
          %add3A_472 = arith.addi %mul3A_2, %mul3A_471 : i32
          %dma_wait3A_473 = arith.constant 0 : i32
          %dma_wait3A_474 = arith.constant 0 : i32
          %dma_wait3A_475 = arith.constant 0 : i32
          %dma_wait3A_476 = arith.constant 0 : i32
          %dma_wait3A_477 = tpu.memref_slice %arg6[%dma_wait3A_473, %dma_wait3A_474, %dma_wait3A_475, %dma_wait3A_476] : memref<3x4x8x1024xf32, #tpu.memory_space<vmem>> -> memref<1x4x8x1024xf32, #tpu.memory_space<vmem>>
          %dma_wait3A_478 = tpu.memref_squeeze %dma_wait3A_477 : memref<1x4x8x1024xf32, #tpu.memory_space<vmem>> -> memref<4x8x1024xf32, #tpu.memory_space<vmem>>
          %dma_wait3A_479 = arith.constant 0 : i32
          %dma_wait3A_480 = arith.constant 0 : i32
          %dma_wait3A_481 = tpu.memref_slice %arg4[%dma_wait3A_479, %add3A_472, %dma_wait3A_480] : memref<4x2048x1024xf32, #tpu.memory_space<hbm>> -> memref<4x8x1024xf32, #tpu.memory_space<hbm>>
          %dma_wait3A_482 = arith.constant 0 : i32
          %dma_wait3A_483 = arith.constant 0 : i32
          %dma_wait3A_484 = tpu.memref_slice %arg4[%dma_wait3A_482, %add3A_472, %dma_wait3A_483] : memref<4x2048x1024xf32, #tpu.memory_space<hbm>> -> memref<4x8x1024xf32, #tpu.memory_space<hbm>>
          %dma_wait3A_485 = arith.constant 0 : i32
          %dma_wait3A_486 = arith.constant 0 : i32
          %dma_wait3A_487 = arith.constant 0 : i32
          %dma_wait3A_488 = tpu.memref_slice %arg6[%dma_wait3A_473, %dma_wait3A_485, %dma_wait3A_486, %dma_wait3A_487] : memref<3x4x8x1024xf32, #tpu.memory_space<vmem>> -> memref<1x4x8x1024xf32, #tpu.memory_space<vmem>>
          %dma_wait3A_489 = tpu.memref_squeeze %dma_wait3A_488 : memref<1x4x8x1024xf32, #tpu.memory_space<vmem>> -> memref<4x8x1024xf32, #tpu.memory_space<vmem>>
          tpu.wait_dma2 semaphore(%arg13 : memref<!tpu.dma_semaphore, #tpu.memory_space<semaphore_mem>>) src(%dma_wait3A_489 : memref<4x8x1024xf32, #tpu.memory_space<vmem>>) dst(%dma_wait3A_484 : memref<4x8x1024xf32, #tpu.memory_space<hbm>>)
        } else {
        }
        %add3A_434 = arith.constant 2 : i32
        %add3A_435 = arith.addi %add3A_301, %add3A_434 : i32
        %mul3A_436 = arith.constant 8 : i32
        %mul3A_437 = arith.muli %add3A_435, %mul3A_436 : i32
        %add3A_438 = arith.addi %mul3A_2, %mul3A_437 : i32
        %dma_start3A_439 = arith.constant 0 : i32
        %dma_start3A_440 = arith.constant 0 : i32
        %dma_start3A_441 = arith.constant 0 : i32
        %dma_start3A_442 = tpu.memref_slice %arg5[%dma_start3A_439, %dma_start3A_440, %dma_start3A_441] : memref<3x8x1024xf32, #tpu.memory_space<vmem>> -> memref<1x8x1024xf32, #tpu.memory_space<vmem>>
        %dma_start3A_443 = tpu.memref_squeeze %dma_start3A_442 : memref<1x8x1024xf32, #tpu.memory_space<vmem>> -> memref<8x1024xf32, #tpu.memory_space<vmem>>
        %dma_start3A_444 = arith.constant 0 : i32
        %dma_start3A_445 = tpu.memref_slice %arg3[%add3A_438, %dma_start3A_444] : memref<2048x1024xf32, #tpu.memory_space<hbm>> -> memref<8x1024xf32, #tpu.memory_space<hbm>>
        %dma_start3A_446 = arith.constant 0 : i32
        %dma_start3A_447 = arith.constant 0 : i32
        %dma_start3A_448 = tpu.memref_slice %arg5[%dma_start3A_439, %dma_start3A_446, %dma_start3A_447] : memref<3x8x1024xf32, #tpu.memory_space<vmem>> -> memref<1x8x1024xf32, #tpu.memory_space<vmem>>
        %dma_start3A_449 = tpu.memref_squeeze %dma_start3A_448 : memref<1x8x1024xf32, #tpu.memory_space<vmem>> -> memref<8x1024xf32, #tpu.memory_space<vmem>>
        %dma_start3A_450 = arith.constant 0 : i32
        %dma_start3A_451 = tpu.memref_slice %arg3[%add3A_438, %dma_start3A_450] : memref<2048x1024xf32, #tpu.memory_space<hbm>> -> memref<8x1024xf32, #tpu.memory_space<hbm>>
        tpu.enqueue_dma source(%dma_start3A_451 : memref<8x1024xf32, #tpu.memory_space<hbm>>) target(%dma_start3A_449 : memref<8x1024xf32, #tpu.memory_space<vmem>>) target_semaphore(%arg7 : memref<!tpu.dma_semaphore, #tpu.memory_space<semaphore_mem>>)
        %dma_start3A_452 = arith.constant 0 : i32
        %dma_start3A_453 = arith.constant 0 : i32
        %dma_start3A_454 = arith.constant 0 : i32
        %dma_start3A_455 = arith.constant 0 : i32
        %dma_start3A_456 = tpu.memref_slice %arg6[%dma_start3A_452, %dma_start3A_453, %dma_start3A_454, %dma_start3A_455] : memref<3x4x8x1024xf32, #tpu.memory_space<vmem>> -> memref<1x4x8x1024xf32, #tpu.memory_space<vmem>>
        %dma_start3A_457 = tpu.memref_squeeze %dma_start3A_456 : memref<1x4x8x1024xf32, #tpu.memory_space<vmem>> -> memref<4x8x1024xf32, #tpu.memory_space<vmem>>
        %dma_start3A_458 = arith.constant 0 : i32
        %dma_start3A_459 = arith.constant 0 : i32
        %dma_start3A_460 = tpu.memref_slice %arg2[%dma_start3A_458, %add3A_438, %dma_start3A_459] : memref<4x2048x1024xf32, #tpu.memory_space<hbm>> -> memref<4x8x1024xf32, #tpu.memory_space<hbm>>
        %dma_start3A_461 = arith.constant 0 : i32
        %dma_start3A_462 = arith.constant 0 : i32
        %dma_start3A_463 = arith.constant 0 : i32
        %dma_start3A_464 = tpu.memref_slice %arg6[%dma_start3A_452, %dma_start3A_461, %dma_start3A_462, %dma_start3A_463] : memref<3x4x8x1024xf32, #tpu.memory_space<vmem>> -> memref<1x4x8x1024xf32, #tpu.memory_space<vmem>>
        %dma_start3A_465 = tpu.memref_squeeze %dma_start3A_464 : memref<1x4x8x1024xf32, #tpu.memory_space<vmem>> -> memref<4x8x1024xf32, #tpu.memory_space<vmem>>
        %dma_start3A_466 = arith.constant 0 : i32
        %dma_start3A_467 = arith.constant 0 : i32
        %dma_start3A_468 = tpu.memref_slice %arg2[%dma_start3A_466, %add3A_438, %dma_start3A_467] : memref<4x2048x1024xf32, #tpu.memory_space<hbm>> -> memref<4x8x1024xf32, #tpu.memory_space<hbm>>
        tpu.enqueue_dma source(%dma_start3A_468 : memref<4x8x1024xf32, #tpu.memory_space<hbm>>) target(%dma_start3A_465 : memref<4x8x1024xf32, #tpu.memory_space<vmem>>) target_semaphore(%arg10 : memref<!tpu.dma_semaphore, #tpu.memory_space<semaphore_mem>>)
      } else {
      }
      %mul3A_309 = arith.constant 8 : i32
      %mul3A_310 = arith.muli %add3A_301, %mul3A_309 : i32
      %add3A_311 = arith.addi %mul3A_2, %mul3A_310 : i32
      %dma_wait3A_312 = arith.constant 1 : i32
      %dma_wait3A_313 = arith.constant 0 : i32
      %dma_wait3A_314 = arith.constant 0 : i32
      %dma_wait3A_315 = tpu.memref_slice %arg5[%dma_wait3A_312, %dma_wait3A_313, %dma_wait3A_314] : memref<3x8x1024xf32, #tpu.memory_space<vmem>> -> memref<1x8x1024xf32, #tpu.memory_space<vmem>>
      %dma_wait3A_316 = tpu.memref_squeeze %dma_wait3A_315 : memref<1x8x1024xf32, #tpu.memory_space<vmem>> -> memref<8x1024xf32, #tpu.memory_space<vmem>>
      %dma_wait3A_317 = arith.constant 0 : i32
      %dma_wait3A_318 = tpu.memref_slice %arg3[%add3A_311, %dma_wait3A_317] : memref<2048x1024xf32, #tpu.memory_space<hbm>> -> memref<8x1024xf32, #tpu.memory_space<hbm>>
      %dma_wait3A_319 = arith.constant 0 : i32
      %dma_wait3A_320 = arith.constant 0 : i32
      %dma_wait3A_321 = tpu.memref_slice %arg5[%dma_wait3A_312, %dma_wait3A_319, %dma_wait3A_320] : memref<3x8x1024xf32, #tpu.memory_space<vmem>> -> memref<1x8x1024xf32, #tpu.memory_space<vmem>>
      %dma_wait3A_322 = tpu.memref_squeeze %dma_wait3A_321 : memref<1x8x1024xf32, #tpu.memory_space<vmem>> -> memref<8x1024xf32, #tpu.memory_space<vmem>>
      %dma_wait3A_323 = arith.constant 0 : i32
      %dma_wait3A_324 = tpu.memref_slice %arg3[%add3A_311, %dma_wait3A_323] : memref<2048x1024xf32, #tpu.memory_space<hbm>> -> memref<8x1024xf32, #tpu.memory_space<hbm>>
      tpu.wait_dma2 semaphore(%arg8 : memref<!tpu.dma_semaphore, #tpu.memory_space<semaphore_mem>>) src(%dma_wait3A_324 : memref<8x1024xf32, #tpu.memory_space<hbm>>) dst(%dma_wait3A_322 : memref<8x1024xf32, #tpu.memory_space<vmem>>)
      %dma_wait3A_325 = arith.constant 1 : i32
      %dma_wait3A_326 = arith.constant 0 : i32
      %dma_wait3A_327 = arith.constant 0 : i32
      %dma_wait3A_328 = arith.constant 0 : i32
      %dma_wait3A_329 = tpu.memref_slice %arg6[%dma_wait3A_325, %dma_wait3A_326, %dma_wait3A_327, %dma_wait3A_328] : memref<3x4x8x1024xf32, #tpu.memory_space<vmem>> -> memref<1x4x8x1024xf32, #tpu.memory_space<vmem>>
      %dma_wait3A_330 = tpu.memref_squeeze %dma_wait3A_329 : memref<1x4x8x1024xf32, #tpu.memory_space<vmem>> -> memref<4x8x1024xf32, #tpu.memory_space<vmem>>
      %dma_wait3A_331 = arith.constant 0 : i32
      %dma_wait3A_332 = arith.constant 0 : i32
      %dma_wait3A_333 = tpu.memref_slice %arg2[%dma_wait3A_331, %add3A_311, %dma_wait3A_332] : memref<4x2048x1024xf32, #tpu.memory_space<hbm>> -> memref<4x8x1024xf32, #tpu.memory_space<hbm>>
      %dma_wait3A_334 = arith.constant 0 : i32
      %dma_wait3A_335 = arith.constant 0 : i32
      %dma_wait3A_336 = arith.constant 0 : i32
      %dma_wait3A_337 = tpu.memref_slice %arg6[%dma_wait3A_325, %dma_wait3A_334, %dma_wait3A_335, %dma_wait3A_336] : memref<3x4x8x1024xf32, #tpu.memory_space<vmem>> -> memref<1x4x8x1024xf32, #tpu.memory_space<vmem>>
      %dma_wait3A_338 = tpu.memref_squeeze %dma_wait3A_337 : memref<1x4x8x1024xf32, #tpu.memory_space<vmem>> -> memref<4x8x1024xf32, #tpu.memory_space<vmem>>
      %dma_wait3A_339 = arith.constant 0 : i32
      %dma_wait3A_340 = arith.constant 0 : i32
      %dma_wait3A_341 = tpu.memref_slice %arg2[%dma_wait3A_339, %add3A_311, %dma_wait3A_340] : memref<4x2048x1024xf32, #tpu.memory_space<hbm>> -> memref<4x8x1024xf32, #tpu.memory_space<hbm>>
      tpu.wait_dma2 semaphore(%arg11 : memref<!tpu.dma_semaphore, #tpu.memory_space<semaphore_mem>>) src(%dma_wait3A_341 : memref<4x8x1024xf32, #tpu.memory_space<hbm>>) dst(%dma_wait3A_338 : memref<4x8x1024xf32, #tpu.memory_space<vmem>>)
      %parallel_loop3A_342 = arith.constant 0 : i32
      %parallel_loop3A_343 = arith.constant 512 : i32
      %parallel_loop3A_344 = arith.constant 1 : i32
      scf.for %parallel_loop3A_430 = %parallel_loop3A_342 to %parallel_loop3A_343 step %parallel_loop3A_344  : i32 {
        %parallel_loop3A_431 = arith.constant 64 : i32
        %parallel_loop3A_432 = arith.divsi %parallel_loop3A_430, %parallel_loop3A_431 : i32
        %parallel_loop3A_433 = arith.constant 0 : i32
        %parallel_loop3A_434 = arith.cmpi sgt, %parallel_loop3A_430, %parallel_loop3A_433 : i32
        %parallel_loop3A_435 = arith.extui %parallel_loop3A_434 : i1 to i32
        %parallel_loop3A_436 = arith.constant 0 : i32
        %parallel_loop3A_437 = arith.cmpi slt, %parallel_loop3A_430, %parallel_loop3A_436 : i32
        %parallel_loop3A_438 = arith.extui %parallel_loop3A_437 : i1 to i32
        %parallel_loop3A_439 = arith.subi %parallel_loop3A_435, %parallel_loop3A_438 : i32
        %parallel_loop3A_440 = arith.constant 0 : i32
        %parallel_loop3A_441 = arith.cmpi sgt, %parallel_loop3A_431, %parallel_loop3A_440 : i32
        %parallel_loop3A_442 = arith.extui %parallel_loop3A_441 : i1 to i32
        %parallel_loop3A_443 = arith.constant 0 : i32
        %parallel_loop3A_444 = arith.cmpi slt, %parallel_loop3A_431, %parallel_loop3A_443 : i32
        %parallel_loop3A_445 = arith.extui %parallel_loop3A_444 : i1 to i32
        %parallel_loop3A_446 = arith.subi %parallel_loop3A_442, %parallel_loop3A_445 : i32
        %parallel_loop3A_447 = arith.cmpi ne, %parallel_loop3A_439, %parallel_loop3A_446 : i32
        %parallel_loop3A_448 = arith.remsi %parallel_loop3A_430, %parallel_loop3A_431 : i32
        %parallel_loop3A_449 = arith.constant 0 : i32
        %parallel_loop3A_450 = arith.cmpi ne, %parallel_loop3A_448, %parallel_loop3A_449 : i32
        %parallel_loop3A_451 = arith.andi %parallel_loop3A_447, %parallel_loop3A_450 : i1
        %parallel_loop3A_452 = arith.constant 1 : i32
        %parallel_loop3A_453 = arith.subi %parallel_loop3A_432, %parallel_loop3A_452 : i32
        %parallel_loop3A_454 = arith.select %parallel_loop3A_451, %parallel_loop3A_453, %parallel_loop3A_432 : i32
        %parallel_loop3A_455 = arith.constant 64 : i32
        %parallel_loop3A_456 = arith.constant 0 : i32
        %parallel_loop3A_457 = arith.cmpi eq, %parallel_loop3A_455, %parallel_loop3A_456 : i32
        %parallel_loop3A_458 = arith.constant 1 : i32
        %parallel_loop3A_459 = arith.select %parallel_loop3A_457, %parallel_loop3A_458, %parallel_loop3A_455 : i32
        %parallel_loop3A_460 = arith.remsi %parallel_loop3A_430, %parallel_loop3A_459 : i32
        %parallel_loop3A_461 = arith.constant 0 : i32
        %parallel_loop3A_462 = arith.cmpi ne, %parallel_loop3A_460, %parallel_loop3A_461 : i32
        %parallel_loop3A_463 = arith.constant 0 : i32
        %parallel_loop3A_464 = arith.cmpi slt, %parallel_loop3A_460, %parallel_loop3A_463 : i32
        %parallel_loop3A_465 = arith.constant 0 : i32
        %parallel_loop3A_466 = arith.cmpi slt, %parallel_loop3A_459, %parallel_loop3A_465 : i32
        %parallel_loop3A_467 = arith.xori %parallel_loop3A_464, %parallel_loop3A_466 : i1
        %parallel_loop3A_468 = arith.andi %parallel_loop3A_467, %parallel_loop3A_462 : i1
        %parallel_loop3A_469 = arith.addi %parallel_loop3A_460, %parallel_loop3A_459 : i32
        %parallel_loop3A_470 = arith.select %parallel_loop3A_468, %parallel_loop3A_469, %parallel_loop3A_460 : i32
        %parallel_loop3A_471 = arith.constant 16 : i32
        %parallel_loop3A_472 = arith.muli %parallel_loop3A_470, %parallel_loop3A_471 : i32
        %parallel_loop3A_473 = arith.constant 1 : i32
        %parallel_loop3A_474 = arith.index_cast %parallel_loop3A_473 : i32 to index
        %parallel_loop3A_475 = arith.index_cast %parallel_loop3A_454 : i32 to index
        %parallel_loop3A_476 = arith.index_cast %parallel_loop3A_472 : i32 to index
        %parallel_loop3A_477 = tpu.vector_load %arg5[%parallel_loop3A_474, %parallel_loop3A_475, %parallel_loop3A_476] {strides = array<i32>} : memref<3x8x1024xf32, #tpu.memory_space<vmem>>, vector<1x1x16xf32>,
        %parallel_loop3A_478 = vector.shape_cast %parallel_loop3A_477 : vector<1x1x16xf32> to vector<16xf32>
        %parallel_loop3A_479 = arith.constant 1 : i32
        %parallel_loop3A_480 = arith.constant 0 : i32
        %parallel_loop3A_481 = arith.index_cast %parallel_loop3A_479 : i32 to index
        %parallel_loop3A_482 = arith.index_cast %parallel_loop3A_480 : i32 to index
        %parallel_loop3A_483 = arith.index_cast %parallel_loop3A_454 : i32 to index
        %parallel_loop3A_484 = arith.index_cast %parallel_loop3A_472 : i32 to index
        %parallel_loop3A_485 = tpu.vector_load %arg6[%parallel_loop3A_481, %parallel_loop3A_482, %parallel_loop3A_483, %parallel_loop3A_484] {strides = array<i32>} : memref<3x4x8x1024xf32, #tpu.memory_space<vmem>>, vector<1x1x1x16xf32>,
        %parallel_loop3A_486 = vector.shape_cast %parallel_loop3A_485 : vector<1x1x1x16xf32> to vector<16xf32>
        %parallel_loop3A_487 = vector.shape_cast %parallel_loop3A_478 : vector<16xf32> to vector<1x1x1x16xf32>
        tpu.vector_store %arg6[%parallel_loop3A_481, %parallel_loop3A_482, %parallel_loop3A_483, %parallel_loop3A_484], %parallel_loop3A_487 {add = true, strides = array<i32>} : memref<3x4x8x1024xf32, #tpu.memory_space<vmem>>, vector<1x1x1x16xf32>,
        %parallel_loop3A_488 = arith.constant 1 : i32
        %parallel_loop3A_489 = arith.constant 1 : i32
        %parallel_loop3A_490 = arith.index_cast %parallel_loop3A_488 : i32 to index
        %parallel_loop3A_491 = arith.index_cast %parallel_loop3A_489 : i32 to index
        %parallel_loop3A_492 = arith.index_cast %parallel_loop3A_454 : i32 to index
        %parallel_loop3A_493 = arith.index_cast %parallel_loop3A_472 : i32 to index
        %parallel_loop3A_494 = tpu.vector_load %arg6[%parallel_loop3A_490, %parallel_loop3A_491, %parallel_loop3A_492, %parallel_loop3A_493] {strides = array<i32>} : memref<3x4x8x1024xf32, #tpu.memory_space<vmem>>, vector<1x1x1x16xf32>,
        %parallel_loop3A_495 = vector.shape_cast %parallel_loop3A_494 : vector<1x1x1x16xf32> to vector<16xf32>
        %parallel_loop3A_496 = vector.shape_cast %parallel_loop3A_478 : vector<16xf32> to vector<1x1x1x16xf32>
        tpu.vector_store %arg6[%parallel_loop3A_490, %parallel_loop3A_491, %parallel_loop3A_492, %parallel_loop3A_493], %parallel_loop3A_496 {add = true, strides = array<i32>} : memref<3x4x8x1024xf32, #tpu.memory_space<vmem>>, vector<1x1x1x16xf32>,
        %parallel_loop3A_497 = arith.constant 1 : i32
        %parallel_loop3A_498 = arith.constant 2 : i32
        %parallel_loop3A_499 = arith.index_cast %parallel_loop3A_497 : i32 to index
        %parallel_loop3A_500 = arith.index_cast %parallel_loop3A_498 : i32 to index
        %parallel_loop3A_501 = arith.index_cast %parallel_loop3A_454 : i32 to index
        %parallel_loop3A_502 = arith.index_cast %parallel_loop3A_472 : i32 to index
        %parallel_loop3A_503 = tpu.vector_load %arg6[%parallel_loop3A_499, %parallel_loop3A_500, %parallel_loop3A_501, %parallel_loop3A_502] {strides = array<i32>} : memref<3x4x8x1024xf32, #tpu.memory_space<vmem>>, vector<1x1x1x16xf32>,
        %parallel_loop3A_504 = vector.shape_cast %parallel_loop3A_503 : vector<1x1x1x16xf32> to vector<16xf32>
        %parallel_loop3A_505 = vector.shape_cast %parallel_loop3A_478 : vector<16xf32> to vector<1x1x1x16xf32>
        tpu.vector_store %arg6[%parallel_loop3A_499, %parallel_loop3A_500, %parallel_loop3A_501, %parallel_loop3A_502], %parallel_loop3A_505 {add = true, strides = array<i32>} : memref<3x4x8x1024xf32, #tpu.memory_space<vmem>>, vector<1x1x1x16xf32>,
        %parallel_loop3A_506 = arith.constant 1 : i32
        %parallel_loop3A_507 = arith.constant 3 : i32
        %parallel_loop3A_508 = arith.index_cast %parallel_loop3A_506 : i32 to index
        %parallel_loop3A_509 = arith.index_cast %parallel_loop3A_507 : i32 to index
        %parallel_loop3A_510 = arith.index_cast %parallel_loop3A_454 : i32 to index
        %parallel_loop3A_511 = arith.index_cast %parallel_loop3A_472 : i32 to index
        %parallel_loop3A_512 = tpu.vector_load %arg6[%parallel_loop3A_508, %parallel_loop3A_509, %parallel_loop3A_510, %parallel_loop3A_511] {strides = array<i32>} : memref<3x4x8x1024xf32, #tpu.memory_space<vmem>>, vector<1x1x1x16xf32>,
        %parallel_loop3A_513 = vector.shape_cast %parallel_loop3A_512 : vector<1x1x1x16xf32> to vector<16xf32>
        %parallel_loop3A_514 = vector.shape_cast %parallel_loop3A_478 : vector<16xf32> to vector<1x1x1x16xf32>
        tpu.vector_store %arg6[%parallel_loop3A_508, %parallel_loop3A_509, %parallel_loop3A_510, %parallel_loop3A_511], %parallel_loop3A_514 {add = true, strides = array<i32>} : memref<3x4x8x1024xf32, #tpu.memory_space<vmem>>, vector<1x1x1x16xf32>,
      } {sc.loop_unroll_factor = 4 : i64, sc.parallel_access}
      %mul3A_345 = arith.constant 8 : i32
      %mul3A_346 = arith.muli %add3A_301, %mul3A_345 : i32
      %add3A_347 = arith.addi %mul3A_2, %mul3A_346 : i32
      %dma_start3A_348 = arith.constant 1 : i32
      %dma_start3A_349 = arith.constant 0 : i32
      %dma_start3A_350 = arith.constant 0 : i32
      %dma_start3A_351 = arith.constant 0 : i32
      %dma_start3A_352 = tpu.memref_slice %arg6[%dma_start3A_348, %dma_start3A_349, %dma_start3A_350, %dma_start3A_351] : memref<3x4x8x1024xf32, #tpu.memory_space<vmem>> -> memref<1x4x8x1024xf32, #tpu.memory_space<vmem>>
      %dma_start3A_353 = tpu.memref_squeeze %dma_start3A_352 : memref<1x4x8x1024xf32, #tpu.memory_space<vmem>> -> memref<4x8x1024xf32, #tpu.memory_space<vmem>>
      %dma_start3A_354 = arith.constant 0 : i32
      %dma_start3A_355 = arith.constant 0 : i32
      %dma_start3A_356 = tpu.memref_slice %arg4[%dma_start3A_354, %add3A_347, %dma_start3A_355] : memref<4x2048x1024xf32, #tpu.memory_space<hbm>> -> memref<4x8x1024xf32, #tpu.memory_space<hbm>>
      %dma_start3A_357 = arith.constant 0 : i32
      %dma_start3A_358 = arith.constant 0 : i32
      %dma_start3A_359 = tpu.memref_slice %arg4[%dma_start3A_357, %add3A_347, %dma_start3A_358] : memref<4x2048x1024xf32, #tpu.memory_space<hbm>> -> memref<4x8x1024xf32, #tpu.memory_space<hbm>>
      %dma_start3A_360 = arith.constant 0 : i32
      %dma_start3A_361 = arith.constant 0 : i32
      %dma_start3A_362 = arith.constant 0 : i32
      %dma_start3A_363 = tpu.memref_slice %arg6[%dma_start3A_348, %dma_start3A_360, %dma_start3A_361, %dma_start3A_362] : memref<3x4x8x1024xf32, #tpu.memory_space<vmem>> -> memref<1x4x8x1024xf32, #tpu.memory_space<vmem>>
      %dma_start3A_364 = tpu.memref_squeeze %dma_start3A_363 : memref<1x4x8x1024xf32, #tpu.memory_space<vmem>> -> memref<4x8x1024xf32, #tpu.memory_space<vmem>>
      tpu.enqueue_dma source(%dma_start3A_364 : memref<4x8x1024xf32, #tpu.memory_space<vmem>>) target(%dma_start3A_359 : memref<4x8x1024xf32, #tpu.memory_space<hbm>>) target_semaphore(%arg14 : memref<!tpu.dma_semaphore, #tpu.memory_space<semaphore_mem>>)
      %add3A_365 = arith.constant 2 : i32
      %add3A_366 = arith.addi %add3A_237, %add3A_365 : i32
      %add3A_367 = arith.constant 2 : i32
      %add3A_368 = arith.addi %add3A_366, %add3A_367 : i32
      %lt3A_369 = arith.constant 8 : i32
      %lt3A_370 = arith.cmpi slt, %add3A_368, %lt3A_369 : i32
      %convert_element_type3A_371 = arith.extui %lt3A_370 : i1 to i32
      %cond3A_372 = arith.constant 0 : i32
      %cond3A_373 = arith.cmpi ne, %convert_element_type3A_371, %cond3A_372 : i32
      scf.if %cond3A_373 {
        %ge3A = arith.constant 1 : i32
        %ge3A_430 = arith.cmpi sge, %add3A_366, %ge3A : i32
        %convert_element_type3A_431 = arith.extui %ge3A_430 : i1 to i32
        %cond3A_432 = arith.constant 0 : i32
        %cond3A_433 = arith.cmpi ne, %convert_element_type3A_431, %cond3A_432 : i32
        scf.if %cond3A_433 {
          %sub3A = arith.constant 1 : i32
          %sub3A_469 = arith.subi %add3A_366, %sub3A : i32
          %mul3A_470 = arith.constant 8 : i32
          %mul3A_471 = arith.muli %sub3A_469, %mul3A_470 : i32
          %add3A_472 = arith.addi %mul3A_2, %mul3A_471 : i32
          %dma_wait3A_473 = arith.constant 1 : i32
          %dma_wait3A_474 = arith.constant 0 : i32
          %dma_wait3A_475 = arith.constant 0 : i32
          %dma_wait3A_476 = arith.constant 0 : i32
          %dma_wait3A_477 = tpu.memref_slice %arg6[%dma_wait3A_473, %dma_wait3A_474, %dma_wait3A_475, %dma_wait3A_476] : memref<3x4x8x1024xf32, #tpu.memory_space<vmem>> -> memref<1x4x8x1024xf32, #tpu.memory_space<vmem>>
          %dma_wait3A_478 = tpu.memref_squeeze %dma_wait3A_477 : memref<1x4x8x1024xf32, #tpu.memory_space<vmem>> -> memref<4x8x1024xf32, #tpu.memory_space<vmem>>
          %dma_wait3A_479 = arith.constant 0 : i32
          %dma_wait3A_480 = arith.constant 0 : i32
          %dma_wait3A_481 = tpu.memref_slice %arg4[%dma_wait3A_479, %add3A_472, %dma_wait3A_480] : memref<4x2048x1024xf32, #tpu.memory_space<hbm>> -> memref<4x8x1024xf32, #tpu.memory_space<hbm>>
          %dma_wait3A_482 = arith.constant 0 : i32
          %dma_wait3A_483 = arith.constant 0 : i32
          %dma_wait3A_484 = tpu.memref_slice %arg4[%dma_wait3A_482, %add3A_472, %dma_wait3A_483] : memref<4x2048x1024xf32, #tpu.memory_space<hbm>> -> memref<4x8x1024xf32, #tpu.memory_space<hbm>>
          %dma_wait3A_485 = arith.constant 0 : i32
          %dma_wait3A_486 = arith.constant 0 : i32
          %dma_wait3A_487 = arith.constant 0 : i32
          %dma_wait3A_488 = tpu.memref_slice %arg6[%dma_wait3A_473, %dma_wait3A_485, %dma_wait3A_486, %dma_wait3A_487] : memref<3x4x8x1024xf32, #tpu.memory_space<vmem>> -> memref<1x4x8x1024xf32, #tpu.memory_space<vmem>>
          %dma_wait3A_489 = tpu.memref_squeeze %dma_wait3A_488 : memref<1x4x8x1024xf32, #tpu.memory_space<vmem>> -> memref<4x8x1024xf32, #tpu.memory_space<vmem>>
          tpu.wait_dma2 semaphore(%arg14 : memref<!tpu.dma_semaphore, #tpu.memory_space<semaphore_mem>>) src(%dma_wait3A_489 : memref<4x8x1024xf32, #tpu.memory_space<vmem>>) dst(%dma_wait3A_484 : memref<4x8x1024xf32, #tpu.memory_space<hbm>>)
        } else {
        }
        %add3A_434 = arith.constant 2 : i32
        %add3A_435 = arith.addi %add3A_366, %add3A_434 : i32
        %mul3A_436 = arith.constant 8 : i32
        %mul3A_437 = arith.muli %add3A_435, %mul3A_436 : i32
        %add3A_438 = arith.addi %mul3A_2, %mul3A_437 : i32
        %dma_start3A_439 = arith.constant 1 : i32
        %dma_start3A_440 = arith.constant 0 : i32
        %dma_start3A_441 = arith.constant 0 : i32
        %dma_start3A_442 = tpu.memref_slice %arg5[%dma_start3A_439, %dma_start3A_440, %dma_start3A_441] : memref<3x8x1024xf32, #tpu.memory_space<vmem>> -> memref<1x8x1024xf32, #tpu.memory_space<vmem>>
        %dma_start3A_443 = tpu.memref_squeeze %dma_start3A_442 : memref<1x8x1024xf32, #tpu.memory_space<vmem>> -> memref<8x1024xf32, #tpu.memory_space<vmem>>
        %dma_start3A_444 = arith.constant 0 : i32
        %dma_start3A_445 = tpu.memref_slice %arg3[%add3A_438, %dma_start3A_444] : memref<2048x1024xf32, #tpu.memory_space<hbm>> -> memref<8x1024xf32, #tpu.memory_space<hbm>>
        %dma_start3A_446 = arith.constant 0 : i32
        %dma_start3A_447 = arith.constant 0 : i32
        %dma_start3A_448 = tpu.memref_slice %arg5[%dma_start3A_439, %dma_start3A_446, %dma_start3A_447] : memref<3x8x1024xf32, #tpu.memory_space<vmem>> -> memref<1x8x1024xf32, #tpu.memory_space<vmem>>
        %dma_start3A_449 = tpu.memref_squeeze %dma_start3A_448 : memref<1x8x1024xf32, #tpu.memory_space<vmem>> -> memref<8x1024xf32, #tpu.memory_space<vmem>>
        %dma_start3A_450 = arith.constant 0 : i32
        %dma_start3A_451 = tpu.memref_slice %arg3[%add3A_438, %dma_start3A_450] : memref<2048x1024xf32, #tpu.memory_space<hbm>> -> memref<8x1024xf32, #tpu.memory_space<hbm>>
        tpu.enqueue_dma source(%dma_start3A_451 : memref<8x1024xf32, #tpu.memory_space<hbm>>) target(%dma_start3A_449 : memref<8x1024xf32, #tpu.memory_space<vmem>>) target_semaphore(%arg8 : memref<!tpu.dma_semaphore, #tpu.memory_space<semaphore_mem>>)
        %dma_start3A_452 = arith.constant 1 : i32
        %dma_start3A_453 = arith.constant 0 : i32
        %dma_start3A_454 = arith.constant 0 : i32
        %dma_start3A_455 = arith.constant 0 : i32
        %dma_start3A_456 = tpu.memref_slice %arg6[%dma_start3A_452, %dma_start3A_453, %dma_start3A_454, %dma_start3A_455] : memref<3x4x8x1024xf32, #tpu.memory_space<vmem>> -> memref<1x4x8x1024xf32, #tpu.memory_space<vmem>>
        %dma_start3A_457 = tpu.memref_squeeze %dma_start3A_456 : memref<1x4x8x1024xf32, #tpu.memory_space<vmem>> -> memref<4x8x1024xf32, #tpu.memory_space<vmem>>
        %dma_start3A_458 = arith.constant 0 : i32
        %dma_start3A_459 = arith.constant 0 : i32
        %dma_start3A_460 = tpu.memref_slice %arg2[%dma_start3A_458, %add3A_438, %dma_start3A_459] : memref<4x2048x1024xf32, #tpu.memory_space<hbm>> -> memref<4x8x1024xf32, #tpu.memory_space<hbm>>
        %dma_start3A_461 = arith.constant 0 : i32
        %dma_start3A_462 = arith.constant 0 : i32
        %dma_start3A_463 = arith.constant 0 : i32
        %dma_start3A_464 = tpu.memref_slice %arg6[%dma_start3A_452, %dma_start3A_461, %dma_start3A_462, %dma_start3A_463] : memref<3x4x8x1024xf32, #tpu.memory_space<vmem>> -> memref<1x4x8x1024xf32, #tpu.memory_space<vmem>>
        %dma_start3A_465 = tpu.memref_squeeze %dma_start3A_464 : memref<1x4x8x1024xf32, #tpu.memory_space<vmem>> -> memref<4x8x1024xf32, #tpu.memory_space<vmem>>
        %dma_start3A_466 = arith.constant 0 : i32
        %dma_start3A_467 = arith.constant 0 : i32
        %dma_start3A_468 = tpu.memref_slice %arg2[%dma_start3A_466, %add3A_438, %dma_start3A_467] : memref<4x2048x1024xf32, #tpu.memory_space<hbm>> -> memref<4x8x1024xf32, #tpu.memory_space<hbm>>
        tpu.enqueue_dma source(%dma_start3A_468 : memref<4x8x1024xf32, #tpu.memory_space<hbm>>) target(%dma_start3A_465 : memref<4x8x1024xf32, #tpu.memory_space<vmem>>) target_semaphore(%arg11 : memref<!tpu.dma_semaphore, #tpu.memory_space<semaphore_mem>>)
      } else {
      }
      %mul3A_374 = arith.constant 8 : i32
      %mul3A_375 = arith.muli %add3A_366, %mul3A_374 : i32
      %add3A_376 = arith.addi %mul3A_2, %mul3A_375 : i32
      %dma_wait3A_377 = arith.constant 2 : i32
      %dma_wait3A_378 = arith.constant 0 : i32
      %dma_wait3A_379 = arith.constant 0 : i32
      %dma_wait3A_380 = tpu.memref_slice %arg5[%dma_wait3A_377, %dma_wait3A_378, %dma_wait3A_379] : memref<3x8x1024xf32, #tpu.memory_space<vmem>> -> memref<1x8x1024xf32, #tpu.memory_space<vmem>>
      %dma_wait3A_381 = tpu.memref_squeeze %dma_wait3A_380 : memref<1x8x1024xf32, #tpu.memory_space<vmem>> -> memref<8x1024xf32, #tpu.memory_space<vmem>>
      %dma_wait3A_382 = arith.constant 0 : i32
      %dma_wait3A_383 = tpu.memref_slice %arg3[%add3A_376, %dma_wait3A_382] : memref<2048x1024xf32, #tpu.memory_space<hbm>> -> memref<8x1024xf32, #tpu.memory_space<hbm>>
      %dma_wait3A_384 = arith.constant 0 : i32
      %dma_wait3A_385 = arith.constant 0 : i32
      %dma_wait3A_386 = tpu.memref_slice %arg5[%dma_wait3A_377, %dma_wait3A_384, %dma_wait3A_385] : memref<3x8x1024xf32, #tpu.memory_space<vmem>> -> memref<1x8x1024xf32, #tpu.memory_space<vmem>>
      %dma_wait3A_387 = tpu.memref_squeeze %dma_wait3A_386 : memref<1x8x1024xf32, #tpu.memory_space<vmem>> -> memref<8x1024xf32, #tpu.memory_space<vmem>>
      %dma_wait3A_388 = arith.constant 0 : i32
      %dma_wait3A_389 = tpu.memref_slice %arg3[%add3A_376, %dma_wait3A_388] : memref<2048x1024xf32, #tpu.memory_space<hbm>> -> memref<8x1024xf32, #tpu.memory_space<hbm>>
      tpu.wait_dma2 semaphore(%arg9 : memref<!tpu.dma_semaphore, #tpu.memory_space<semaphore_mem>>) src(%dma_wait3A_389 : memref<8x1024xf32, #tpu.memory_space<hbm>>) dst(%dma_wait3A_387 : memref<8x1024xf32, #tpu.memory_space<vmem>>)
      %dma_wait3A_390 = arith.constant 2 : i32
      %dma_wait3A_391 = arith.constant 0 : i32
      %dma_wait3A_392 = arith.constant 0 : i32
      %dma_wait3A_393 = arith.constant 0 : i32
      %dma_wait3A_394 = tpu.memref_slice %arg6[%dma_wait3A_390, %dma_wait3A_391, %dma_wait3A_392, %dma_wait3A_393] : memref<3x4x8x1024xf32, #tpu.memory_space<vmem>> -> memref<1x4x8x1024xf32, #tpu.memory_space<vmem>>
      %dma_wait3A_395 = tpu.memref_squeeze %dma_wait3A_394 : memref<1x4x8x1024xf32, #tpu.memory_space<vmem>> -> memref<4x8x1024xf32, #tpu.memory_space<vmem>>
      %dma_wait3A_396 = arith.constant 0 : i32
      %dma_wait3A_397 = arith.constant 0 : i32
      %dma_wait3A_398 = tpu.memref_slice %arg2[%dma_wait3A_396, %add3A_376, %dma_wait3A_397] : memref<4x2048x1024xf32, #tpu.memory_space<hbm>> -> memref<4x8x1024xf32, #tpu.memory_space<hbm>>
      %dma_wait3A_399 = arith.constant 0 : i32
      %dma_wait3A_400 = arith.constant 0 : i32
      %dma_wait3A_401 = arith.constant 0 : i32
      %dma_wait3A_402 = tpu.memref_slice %arg6[%dma_wait3A_390, %dma_wait3A_399, %dma_wait3A_400, %dma_wait3A_401] : memref<3x4x8x1024xf32, #tpu.memory_space<vmem>> -> memref<1x4x8x1024xf32, #tpu.memory_space<vmem>>
      %dma_wait3A_403 = tpu.memref_squeeze %dma_wait3A_402 : memref<1x4x8x1024xf32, #tpu.memory_space<vmem>> -> memref<4x8x1024xf32, #tpu.memory_space<vmem>>
      %dma_wait3A_404 = arith.constant 0 : i32
      %dma_wait3A_405 = arith.constant 0 : i32
      %dma_wait3A_406 = tpu.memref_slice %arg2[%dma_wait3A_404, %add3A_376, %dma_wait3A_405] : memref<4x2048x1024xf32, #tpu.memory_space<hbm>> -> memref<4x8x1024xf32, #tpu.memory_space<hbm>>
      tpu.wait_dma2 semaphore(%arg12 : memref<!tpu.dma_semaphore, #tpu.memory_space<semaphore_mem>>) src(%dma_wait3A_406 : memref<4x8x1024xf32, #tpu.memory_space<hbm>>) dst(%dma_wait3A_403 : memref<4x8x1024xf32, #tpu.memory_space<vmem>>)
      %parallel_loop3A_407 = arith.constant 0 : i32
      %parallel_loop3A_408 = arith.constant 512 : i32
      %parallel_loop3A_409 = arith.constant 1 : i32
      scf.for %parallel_loop3A_430 = %parallel_loop3A_407 to %parallel_loop3A_408 step %parallel_loop3A_409  : i32 {
        %parallel_loop3A_431 = arith.constant 64 : i32
        %parallel_loop3A_432 = arith.divsi %parallel_loop3A_430, %parallel_loop3A_431 : i32
        %parallel_loop3A_433 = arith.constant 0 : i32
        %parallel_loop3A_434 = arith.cmpi sgt, %parallel_loop3A_430, %parallel_loop3A_433 : i32
        %parallel_loop3A_435 = arith.extui %parallel_loop3A_434 : i1 to i32
        %parallel_loop3A_436 = arith.constant 0 : i32
        %parallel_loop3A_437 = arith.cmpi slt, %parallel_loop3A_430, %parallel_loop3A_436 : i32
        %parallel_loop3A_438 = arith.extui %parallel_loop3A_437 : i1 to i32
        %parallel_loop3A_439 = arith.subi %parallel_loop3A_435, %parallel_loop3A_438 : i32
        %parallel_loop3A_440 = arith.constant 0 : i32
        %parallel_loop3A_441 = arith.cmpi sgt, %parallel_loop3A_431, %parallel_loop3A_440 : i32
        %parallel_loop3A_442 = arith.extui %parallel_loop3A_441 : i1 to i32
        %parallel_loop3A_443 = arith.constant 0 : i32
        %parallel_loop3A_444 = arith.cmpi slt, %parallel_loop3A_431, %parallel_loop3A_443 : i32
        %parallel_loop3A_445 = arith.extui %parallel_loop3A_444 : i1 to i32
        %parallel_loop3A_446 = arith.subi %parallel_loop3A_442, %parallel_loop3A_445 : i32
        %parallel_loop3A_447 = arith.cmpi ne, %parallel_loop3A_439, %parallel_loop3A_446 : i32
        %parallel_loop3A_448 = arith.remsi %parallel_loop3A_430, %parallel_loop3A_431 : i32
        %parallel_loop3A_449 = arith.constant 0 : i32
        %parallel_loop3A_450 = arith.cmpi ne, %parallel_loop3A_448, %parallel_loop3A_449 : i32
        %parallel_loop3A_451 = arith.andi %parallel_loop3A_447, %parallel_loop3A_450 : i1
        %parallel_loop3A_452 = arith.constant 1 : i32
        %parallel_loop3A_453 = arith.subi %parallel_loop3A_432, %parallel_loop3A_452 : i32
        %parallel_loop3A_454 = arith.select %parallel_loop3A_451, %parallel_loop3A_453, %parallel_loop3A_432 : i32
        %parallel_loop3A_455 = arith.constant 64 : i32
        %parallel_loop3A_456 = arith.constant 0 : i32
        %parallel_loop3A_457 = arith.cmpi eq, %parallel_loop3A_455, %parallel_loop3A_456 : i32
        %parallel_loop3A_458 = arith.constant 1 : i32
        %parallel_loop3A_459 = arith.select %parallel_loop3A_457, %parallel_loop3A_458, %parallel_loop3A_455 : i32
        %parallel_loop3A_460 = arith.remsi %parallel_loop3A_430, %parallel_loop3A_459 : i32
        %parallel_loop3A_461 = arith.constant 0 : i32
        %parallel_loop3A_462 = arith.cmpi ne, %parallel_loop3A_460, %parallel_loop3A_461 : i32
        %parallel_loop3A_463 = arith.constant 0 : i32
        %parallel_loop3A_464 = arith.cmpi slt, %parallel_loop3A_460, %parallel_loop3A_463 : i32
        %parallel_loop3A_465 = arith.constant 0 : i32
        %parallel_loop3A_466 = arith.cmpi slt, %parallel_loop3A_459, %parallel_loop3A_465 : i32
        %parallel_loop3A_467 = arith.xori %parallel_loop3A_464, %parallel_loop3A_466 : i1
        %parallel_loop3A_468 = arith.andi %parallel_loop3A_467, %parallel_loop3A_462 : i1
        %parallel_loop3A_469 = arith.addi %parallel_loop3A_460, %parallel_loop3A_459 : i32
        %parallel_loop3A_470 = arith.select %parallel_loop3A_468, %parallel_loop3A_469, %parallel_loop3A_460 : i32
        %parallel_loop3A_471 = arith.constant 16 : i32
        %parallel_loop3A_472 = arith.muli %parallel_loop3A_470, %parallel_loop3A_471 : i32
        %parallel_loop3A_473 = arith.constant 2 : i32
        %parallel_loop3A_474 = arith.index_cast %parallel_loop3A_473 : i32 to index
        %parallel_loop3A_475 = arith.index_cast %parallel_loop3A_454 : i32 to index
        %parallel_loop3A_476 = arith.index_cast %parallel_loop3A_472 : i32 to index
        %parallel_loop3A_477 = tpu.vector_load %arg5[%parallel_loop3A_474, %parallel_loop3A_475, %parallel_loop3A_476] {strides = array<i32>} : memref<3x8x1024xf32, #tpu.memory_space<vmem>>, vector<1x1x16xf32>,
        %parallel_loop3A_478 = vector.shape_cast %parallel_loop3A_477 : vector<1x1x16xf32> to vector<16xf32>
        %parallel_loop3A_479 = arith.constant 2 : i32
        %parallel_loop3A_480 = arith.constant 0 : i32
        %parallel_loop3A_481 = arith.index_cast %parallel_loop3A_479 : i32 to index
        %parallel_loop3A_482 = arith.index_cast %parallel_loop3A_480 : i32 to index
        %parallel_loop3A_483 = arith.index_cast %parallel_loop3A_454 : i32 to index
        %parallel_loop3A_484 = arith.index_cast %parallel_loop3A_472 : i32 to index
        %parallel_loop3A_485 = tpu.vector_load %arg6[%parallel_loop3A_481, %parallel_loop3A_482, %parallel_loop3A_483, %parallel_loop3A_484] {strides = array<i32>} : memref<3x4x8x1024xf32, #tpu.memory_space<vmem>>, vector<1x1x1x16xf32>,
        %parallel_loop3A_486 = vector.shape_cast %parallel_loop3A_485 : vector<1x1x1x16xf32> to vector<16xf32>
        %parallel_loop3A_487 = vector.shape_cast %parallel_loop3A_478 : vector<16xf32> to vector<1x1x1x16xf32>
        tpu.vector_store %arg6[%parallel_loop3A_481, %parallel_loop3A_482, %parallel_loop3A_483, %parallel_loop3A_484], %parallel_loop3A_487 {add = true, strides = array<i32>} : memref<3x4x8x1024xf32, #tpu.memory_space<vmem>>, vector<1x1x1x16xf32>,
        %parallel_loop3A_488 = arith.constant 2 : i32
        %parallel_loop3A_489 = arith.constant 1 : i32
        %parallel_loop3A_490 = arith.index_cast %parallel_loop3A_488 : i32 to index
        %parallel_loop3A_491 = arith.index_cast %parallel_loop3A_489 : i32 to index
        %parallel_loop3A_492 = arith.index_cast %parallel_loop3A_454 : i32 to index
        %parallel_loop3A_493 = arith.index_cast %parallel_loop3A_472 : i32 to index
        %parallel_loop3A_494 = tpu.vector_load %arg6[%parallel_loop3A_490, %parallel_loop3A_491, %parallel_loop3A_492, %parallel_loop3A_493] {strides = array<i32>} : memref<3x4x8x1024xf32, #tpu.memory_space<vmem>>, vector<1x1x1x16xf32>,
        %parallel_loop3A_495 = vector.shape_cast %parallel_loop3A_494 : vector<1x1x1x16xf32> to vector<16xf32>
        %parallel_loop3A_496 = vector.shape_cast %parallel_loop3A_478 : vector<16xf32> to vector<1x1x1x16xf32>
        tpu.vector_store %arg6[%parallel_loop3A_490, %parallel_loop3A_491, %parallel_loop3A_492, %parallel_loop3A_493], %parallel_loop3A_496 {add = true, strides = array<i32>} : memref<3x4x8x1024xf32, #tpu.memory_space<vmem>>, vector<1x1x1x16xf32>,
        %parallel_loop3A_497 = arith.constant 2 : i32
        %parallel_loop3A_498 = arith.constant 2 : i32
        %parallel_loop3A_499 = arith.index_cast %parallel_loop3A_497 : i32 to index
        %parallel_loop3A_500 = arith.index_cast %parallel_loop3A_498 : i32 to index
        %parallel_loop3A_501 = arith.index_cast %parallel_loop3A_454 : i32 to index
        %parallel_loop3A_502 = arith.index_cast %parallel_loop3A_472 : i32 to index
        %parallel_loop3A_503 = tpu.vector_load %arg6[%parallel_loop3A_499, %parallel_loop3A_500, %parallel_loop3A_501, %parallel_loop3A_502] {strides = array<i32>} : memref<3x4x8x1024xf32, #tpu.memory_space<vmem>>, vector<1x1x1x16xf32>,
        %parallel_loop3A_504 = vector.shape_cast %parallel_loop3A_503 : vector<1x1x1x16xf32> to vector<16xf32>
        %parallel_loop3A_505 = vector.shape_cast %parallel_loop3A_478 : vector<16xf32> to vector<1x1x1x16xf32>
        tpu.vector_store %arg6[%parallel_loop3A_499, %parallel_loop3A_500, %parallel_loop3A_501, %parallel_loop3A_502], %parallel_loop3A_505 {add = true, strides = array<i32>} : memref<3x4x8x1024xf32, #tpu.memory_space<vmem>>, vector<1x1x1x16xf32>,
        %parallel_loop3A_506 = arith.constant 2 : i32
        %parallel_loop3A_507 = arith.constant 3 : i32
        %parallel_loop3A_508 = arith.index_cast %parallel_loop3A_506 : i32 to index
        %parallel_loop3A_509 = arith.index_cast %parallel_loop3A_507 : i32 to index
        %parallel_loop3A_510 = arith.index_cast %parallel_loop3A_454 : i32 to index
        %parallel_loop3A_511 = arith.index_cast %parallel_loop3A_472 : i32 to index
        %parallel_loop3A_512 = tpu.vector_load %arg6[%parallel_loop3A_508, %parallel_loop3A_509, %parallel_loop3A_510, %parallel_loop3A_511] {strides = array<i32>} : memref<3x4x8x1024xf32, #tpu.memory_space<vmem>>, vector<1x1x1x16xf32>,
        %parallel_loop3A_513 = vector.shape_cast %parallel_loop3A_512 : vector<1x1x1x16xf32> to vector<16xf32>
        %parallel_loop3A_514 = vector.shape_cast %parallel_loop3A_478 : vector<16xf32> to vector<1x1x1x16xf32>
        tpu.vector_store %arg6[%parallel_loop3A_508, %parallel_loop3A_509, %parallel_loop3A_510, %parallel_loop3A_511], %parallel_loop3A_514 {add = true, strides = array<i32>} : memref<3x4x8x1024xf32, #tpu.memory_space<vmem>>, vector<1x1x1x16xf32>,
      } {sc.loop_unroll_factor = 4 : i64, sc.parallel_access}
      %mul3A_410 = arith.constant 8 : i32
      %mul3A_411 = arith.muli %add3A_366, %mul3A_410 : i32
      %add3A_412 = arith.addi %mul3A_2, %mul3A_411 : i32
      %dma_start3A_413 = arith.constant 2 : i32
      %dma_start3A_414 = arith.constant 0 : i32
      %dma_start3A_415 = arith.constant 0 : i32
      %dma_start3A_416 = arith.constant 0 : i32
      %dma_start3A_417 = tpu.memref_slice %arg6[%dma_start3A_413, %dma_start3A_414, %dma_start3A_415, %dma_start3A_416] : memref<3x4x8x1024xf32, #tpu.memory_space<vmem>> -> memref<1x4x8x1024xf32, #tpu.memory_space<vmem>>
      %dma_start3A_418 = tpu.memref_squeeze %dma_start3A_417 : memref<1x4x8x1024xf32, #tpu.memory_space<vmem>> -> memref<4x8x1024xf32, #tpu.memory_space<vmem>>
      %dma_start3A_419 = arith.constant 0 : i32
      %dma_start3A_420 = arith.constant 0 : i32
      %dma_start3A_421 = tpu.memref_slice %arg4[%dma_start3A_419, %add3A_412, %dma_start3A_420] : memref<4x2048x1024xf32, #tpu.memory_space<hbm>> -> memref<4x8x1024xf32, #tpu.memory_space<hbm>>
      %dma_start3A_422 = arith.constant 0 : i32
      %dma_start3A_423 = arith.constant 0 : i32
      %dma_start3A_424 = tpu.memref_slice %arg4[%dma_start3A_422, %add3A_412, %dma_start3A_423] : memref<4x2048x1024xf32, #tpu.memory_space<hbm>> -> memref<4x8x1024xf32, #tpu.memory_space<hbm>>
      %dma_start3A_425 = arith.constant 0 : i32
      %dma_start3A_426 = arith.constant 0 : i32
      %dma_start3A_427 = arith.constant 0 : i32
      %dma_start3A_428 = tpu.memref_slice %arg6[%dma_start3A_413, %dma_start3A_425, %dma_start3A_426, %dma_start3A_427] : memref<3x4x8x1024xf32, #tpu.memory_space<vmem>> -> memref<1x4x8x1024xf32, #tpu.memory_space<vmem>>
      %dma_start3A_429 = tpu.memref_squeeze %dma_start3A_428 : memref<1x4x8x1024xf32, #tpu.memory_space<vmem>> -> memref<4x8x1024xf32, #tpu.memory_space<vmem>>
      tpu.enqueue_dma source(%dma_start3A_429 : memref<4x8x1024xf32, #tpu.memory_space<vmem>>) target(%dma_start3A_424 : memref<4x8x1024xf32, #tpu.memory_space<hbm>>) target_semaphore(%arg15 : memref<!tpu.dma_semaphore, #tpu.memory_space<semaphore_mem>>)
    }
    %scan3A_69 = arith.constant 2 : i32
    %add3A_70 = arith.constant 48 : i32
    %add3A_71 = arith.addi %mul3A_2, %add3A_70 : i32
    %dma_wait3A = arith.constant 0 : i32
    %dma_wait3A_72 = arith.constant 0 : i32
    %dma_wait3A_73 = arith.constant 0 : i32
    %dma_wait3A_74 = tpu.memref_slice %arg5[%dma_wait3A, %dma_wait3A_72, %dma_wait3A_73] : memref<3x8x1024xf32, #tpu.memory_space<vmem>> -> memref<1x8x1024xf32, #tpu.memory_space<vmem>>
    %dma_wait3A_75 = tpu.memref_squeeze %dma_wait3A_74 : memref<1x8x1024xf32, #tpu.memory_space<vmem>> -> memref<8x1024xf32, #tpu.memory_space<vmem>>
    %dma_wait3A_76 = arith.constant 0 : i32
    %dma_wait3A_77 = tpu.memref_slice %arg3[%add3A_71, %dma_wait3A_76] : memref<2048x1024xf32, #tpu.memory_space<hbm>> -> memref<8x1024xf32, #tpu.memory_space<hbm>>
    %dma_wait3A_78 = arith.constant 0 : i32
    %dma_wait3A_79 = arith.constant 0 : i32
    %dma_wait3A_80 = tpu.memref_slice %arg5[%dma_wait3A, %dma_wait3A_78, %dma_wait3A_79] : memref<3x8x1024xf32, #tpu.memory_space<vmem>> -> memref<1x8x1024xf32, #tpu.memory_space<vmem>>
    %dma_wait3A_81 = tpu.memref_squeeze %dma_wait3A_80 : memref<1x8x1024xf32, #tpu.memory_space<vmem>> -> memref<8x1024xf32, #tpu.memory_space<vmem>>
    %dma_wait3A_82 = arith.constant 0 : i32
    %dma_wait3A_83 = tpu.memref_slice %arg3[%add3A_71, %dma_wait3A_82] : memref<2048x1024xf32, #tpu.memory_space<hbm>> -> memref<8x1024xf32, #tpu.memory_space<hbm>>
    tpu.wait_dma2 semaphore(%arg7 : memref<!tpu.dma_semaphore, #tpu.memory_space<semaphore_mem>>) src(%dma_wait3A_83 : memref<8x1024xf32, #tpu.memory_space<hbm>>) dst(%dma_wait3A_81 : memref<8x1024xf32, #tpu.memory_space<vmem>>)
    %dma_wait3A_84 = arith.constant 0 : i32
    %dma_wait3A_85 = arith.constant 0 : i32
    %dma_wait3A_86 = arith.constant 0 : i32
    %dma_wait3A_87 = arith.constant 0 : i32
    %dma_wait3A_88 = tpu.memref_slice %arg6[%dma_wait3A_84, %dma_wait3A_85, %dma_wait3A_86, %dma_wait3A_87] : memref<3x4x8x1024xf32, #tpu.memory_space<vmem>> -> memref<1x4x8x1024xf32, #tpu.memory_space<vmem>>
    %dma_wait3A_89 = tpu.memref_squeeze %dma_wait3A_88 : memref<1x4x8x1024xf32, #tpu.memory_space<vmem>> -> memref<4x8x1024xf32, #tpu.memory_space<vmem>>
    %dma_wait3A_90 = arith.constant 0 : i32
    %dma_wait3A_91 = arith.constant 0 : i32
    %dma_wait3A_92 = tpu.memref_slice %arg2[%dma_wait3A_90, %add3A_71, %dma_wait3A_91] : memref<4x2048x1024xf32, #tpu.memory_space<hbm>> -> memref<4x8x1024xf32, #tpu.memory_space<hbm>>
    %dma_wait3A_93 = arith.constant 0 : i32
    %dma_wait3A_94 = arith.constant 0 : i32
    %dma_wait3A_95 = arith.constant 0 : i32
    %dma_wait3A_96 = tpu.memref_slice %arg6[%dma_wait3A_84, %dma_wait3A_93, %dma_wait3A_94, %dma_wait3A_95] : memref<3x4x8x1024xf32, #tpu.memory_space<vmem>> -> memref<1x4x8x1024xf32, #tpu.memory_space<vmem>>
    %dma_wait3A_97 = tpu.memref_squeeze %dma_wait3A_96 : memref<1x4x8x1024xf32, #tpu.memory_space<vmem>> -> memref<4x8x1024xf32, #tpu.memory_space<vmem>>
    %dma_wait3A_98 = arith.constant 0 : i32
    %dma_wait3A_99 = arith.constant 0 : i32
    %dma_wait3A_100 = tpu.memref_slice %arg2[%dma_wait3A_98, %add3A_71, %dma_wait3A_99] : memref<4x2048x1024xf32, #tpu.memory_space<hbm>> -> memref<4x8x1024xf32, #tpu.memory_space<hbm>>
    tpu.wait_dma2 semaphore(%arg10 : memref<!tpu.dma_semaphore, #tpu.memory_space<semaphore_mem>>) src(%dma_wait3A_100 : memref<4x8x1024xf32, #tpu.memory_space<hbm>>) dst(%dma_wait3A_97 : memref<4x8x1024xf32, #tpu.memory_space<vmem>>)
    %parallel_loop3A = arith.constant 0 : i32
    %parallel_loop3A_101 = arith.constant 512 : i32
    %parallel_loop3A_102 = arith.constant 1 : i32
    scf.for %parallel_loop3A_233 = %parallel_loop3A to %parallel_loop3A_101 step %parallel_loop3A_102  : i32 {
      %parallel_loop3A_234 = arith.constant 64 : i32
      %parallel_loop3A_235 = arith.divsi %parallel_loop3A_233, %parallel_loop3A_234 : i32
      %parallel_loop3A_236 = arith.constant 0 : i32
      %parallel_loop3A_237 = arith.cmpi sgt, %parallel_loop3A_233, %parallel_loop3A_236 : i32
      %parallel_loop3A_238 = arith.extui %parallel_loop3A_237 : i1 to i32
      %parallel_loop3A_239 = arith.constant 0 : i32
      %parallel_loop3A_240 = arith.cmpi slt, %parallel_loop3A_233, %parallel_loop3A_239 : i32
      %parallel_loop3A_241 = arith.extui %parallel_loop3A_240 : i1 to i32
      %parallel_loop3A_242 = arith.subi %parallel_loop3A_238, %parallel_loop3A_241 : i32
      %parallel_loop3A_243 = arith.constant 0 : i32
      %parallel_loop3A_244 = arith.cmpi sgt, %parallel_loop3A_234, %parallel_loop3A_243 : i32
      %parallel_loop3A_245 = arith.extui %parallel_loop3A_244 : i1 to i32
      %parallel_loop3A_246 = arith.constant 0 : i32
      %parallel_loop3A_247 = arith.cmpi slt, %parallel_loop3A_234, %parallel_loop3A_246 : i32
      %parallel_loop3A_248 = arith.extui %parallel_loop3A_247 : i1 to i32
      %parallel_loop3A_249 = arith.subi %parallel_loop3A_245, %parallel_loop3A_248 : i32
      %parallel_loop3A_250 = arith.cmpi ne, %parallel_loop3A_242, %parallel_loop3A_249 : i32
      %parallel_loop3A_251 = arith.remsi %parallel_loop3A_233, %parallel_loop3A_234 : i32
      %parallel_loop3A_252 = arith.constant 0 : i32
      %parallel_loop3A_253 = arith.cmpi ne, %parallel_loop3A_251, %parallel_loop3A_252 : i32
      %parallel_loop3A_254 = arith.andi %parallel_loop3A_250, %parallel_loop3A_253 : i1
      %parallel_loop3A_255 = arith.constant 1 : i32
      %parallel_loop3A_256 = arith.subi %parallel_loop3A_235, %parallel_loop3A_255 : i32
      %parallel_loop3A_257 = arith.select %parallel_loop3A_254, %parallel_loop3A_256, %parallel_loop3A_235 : i32
      %parallel_loop3A_258 = arith.constant 64 : i32
      %parallel_loop3A_259 = arith.constant 0 : i32
      %parallel_loop3A_260 = arith.cmpi eq, %parallel_loop3A_258, %parallel_loop3A_259 : i32
      %parallel_loop3A_261 = arith.constant 1 : i32
      %parallel_loop3A_262 = arith.select %parallel_loop3A_260, %parallel_loop3A_261, %parallel_loop3A_258 : i32
      %parallel_loop3A_263 = arith.remsi %parallel_loop3A_233, %parallel_loop3A_262 : i32
      %parallel_loop3A_264 = arith.constant 0 : i32
      %parallel_loop3A_265 = arith.cmpi ne, %parallel_loop3A_263, %parallel_loop3A_264 : i32
      %parallel_loop3A_266 = arith.constant 0 : i32
      %parallel_loop3A_267 = arith.cmpi slt, %parallel_loop3A_263, %parallel_loop3A_266 : i32
      %parallel_loop3A_268 = arith.constant 0 : i32
      %parallel_loop3A_269 = arith.cmpi slt, %parallel_loop3A_262, %parallel_loop3A_268 : i32
      %parallel_loop3A_270 = arith.xori %parallel_loop3A_267, %parallel_loop3A_269 : i1
      %parallel_loop3A_271 = arith.andi %parallel_loop3A_270, %parallel_loop3A_265 : i1
      %parallel_loop3A_272 = arith.addi %parallel_loop3A_263, %parallel_loop3A_262 : i32
      %parallel_loop3A_273 = arith.select %parallel_loop3A_271, %parallel_loop3A_272, %parallel_loop3A_263 : i32
      %parallel_loop3A_274 = arith.constant 16 : i32
      %parallel_loop3A_275 = arith.muli %parallel_loop3A_273, %parallel_loop3A_274 : i32
      %parallel_loop3A_276 = arith.constant 0 : i32
      %parallel_loop3A_277 = arith.index_cast %parallel_loop3A_276 : i32 to index
      %parallel_loop3A_278 = arith.index_cast %parallel_loop3A_257 : i32 to index
      %parallel_loop3A_279 = arith.index_cast %parallel_loop3A_275 : i32 to index
      %parallel_loop3A_280 = tpu.vector_load %arg5[%parallel_loop3A_277, %parallel_loop3A_278, %parallel_loop3A_279] {strides = array<i32>} : memref<3x8x1024xf32, #tpu.memory_space<vmem>>, vector<1x1x16xf32>,
      %parallel_loop3A_281 = vector.shape_cast %parallel_loop3A_280 : vector<1x1x16xf32> to vector<16xf32>
      %parallel_loop3A_282 = arith.constant 0 : i32
      %parallel_loop3A_283 = arith.constant 0 : i32
      %parallel_loop3A_284 = arith.index_cast %parallel_loop3A_282 : i32 to index
      %parallel_loop3A_285 = arith.index_cast %parallel_loop3A_283 : i32 to index
      %parallel_loop3A_286 = arith.index_cast %parallel_loop3A_257 : i32 to index
      %parallel_loop3A_287 = arith.index_cast %parallel_loop3A_275 : i32 to index
      %parallel_loop3A_288 = tpu.vector_load %arg6[%parallel_loop3A_284, %parallel_loop3A_285, %parallel_loop3A_286, %parallel_loop3A_287] {strides = array<i32>} : memref<3x4x8x1024xf32, #tpu.memory_space<vmem>>, vector<1x1x1x16xf32>,
      %parallel_loop3A_289 = vector.shape_cast %parallel_loop3A_288 : vector<1x1x1x16xf32> to vector<16xf32>
      %parallel_loop3A_290 = vector.shape_cast %parallel_loop3A_281 : vector<16xf32> to vector<1x1x1x16xf32>
      tpu.vector_store %arg6[%parallel_loop3A_284, %parallel_loop3A_285, %parallel_loop3A_286, %parallel_loop3A_287], %parallel_loop3A_290 {add = true, strides = array<i32>} : memref<3x4x8x1024xf32, #tpu.memory_space<vmem>>, vector<1x1x1x16xf32>,
      %parallel_loop3A_291 = arith.constant 0 : i32
      %parallel_loop3A_292 = arith.constant 1 : i32
      %parallel_loop3A_293 = arith.index_cast %parallel_loop3A_291 : i32 to index
      %parallel_loop3A_294 = arith.index_cast %parallel_loop3A_292 : i32 to index
      %parallel_loop3A_295 = arith.index_cast %parallel_loop3A_257 : i32 to index
      %parallel_loop3A_296 = arith.index_cast %parallel_loop3A_275 : i32 to index
      %parallel_loop3A_297 = tpu.vector_load %arg6[%parallel_loop3A_293, %parallel_loop3A_294, %parallel_loop3A_295, %parallel_loop3A_296] {strides = array<i32>} : memref<3x4x8x1024xf32, #tpu.memory_space<vmem>>, vector<1x1x1x16xf32>,
      %parallel_loop3A_298 = vector.shape_cast %parallel_loop3A_297 : vector<1x1x1x16xf32> to vector<16xf32>
      %parallel_loop3A_299 = vector.shape_cast %parallel_loop3A_281 : vector<16xf32> to vector<1x1x1x16xf32>
      tpu.vector_store %arg6[%parallel_loop3A_293, %parallel_loop3A_294, %parallel_loop3A_295, %parallel_loop3A_296], %parallel_loop3A_299 {add = true, strides = array<i32>} : memref<3x4x8x1024xf32, #tpu.memory_space<vmem>>, vector<1x1x1x16xf32>,
      %parallel_loop3A_300 = arith.constant 0 : i32
      %parallel_loop3A_301 = arith.constant 2 : i32
      %parallel_loop3A_302 = arith.index_cast %parallel_loop3A_300 : i32 to index
      %parallel_loop3A_303 = arith.index_cast %parallel_loop3A_301 : i32 to index
      %parallel_loop3A_304 = arith.index_cast %parallel_loop3A_257 : i32 to index
      %parallel_loop3A_305 = arith.index_cast %parallel_loop3A_275 : i32 to index
      %parallel_loop3A_306 = tpu.vector_load %arg6[%parallel_loop3A_302, %parallel_loop3A_303, %parallel_loop3A_304, %parallel_loop3A_305] {strides = array<i32>} : memref<3x4x8x1024xf32, #tpu.memory_space<vmem>>, vector<1x1x1x16xf32>,
      %parallel_loop3A_307 = vector.shape_cast %parallel_loop3A_306 : vector<1x1x1x16xf32> to vector<16xf32>
      %parallel_loop3A_308 = vector.shape_cast %parallel_loop3A_281 : vector<16xf32> to vector<1x1x1x16xf32>
      tpu.vector_store %arg6[%parallel_loop3A_302, %parallel_loop3A_303, %parallel_loop3A_304, %parallel_loop3A_305], %parallel_loop3A_308 {add = true, strides = array<i32>} : memref<3x4x8x1024xf32, #tpu.memory_space<vmem>>, vector<1x1x1x16xf32>,
      %parallel_loop3A_309 = arith.constant 0 : i32
      %parallel_loop3A_310 = arith.constant 3 : i32
      %parallel_loop3A_311 = arith.index_cast %parallel_loop3A_309 : i32 to index
      %parallel_loop3A_312 = arith.index_cast %parallel_loop3A_310 : i32 to index
      %parallel_loop3A_313 = arith.index_cast %parallel_loop3A_257 : i32 to index
      %parallel_loop3A_314 = arith.index_cast %parallel_loop3A_275 : i32 to index
      %parallel_loop3A_315 = tpu.vector_load %arg6[%parallel_loop3A_311, %parallel_loop3A_312, %parallel_loop3A_313, %parallel_loop3A_314] {strides = array<i32>} : memref<3x4x8x1024xf32, #tpu.memory_space<vmem>>, vector<1x1x1x16xf32>,
      %parallel_loop3A_316 = vector.shape_cast %parallel_loop3A_315 : vector<1x1x1x16xf32> to vector<16xf32>
      %parallel_loop3A_317 = vector.shape_cast %parallel_loop3A_281 : vector<16xf32> to vector<1x1x1x16xf32>
      tpu.vector_store %arg6[%parallel_loop3A_311, %parallel_loop3A_312, %parallel_loop3A_313, %parallel_loop3A_314], %parallel_loop3A_317 {add = true, strides = array<i32>} : memref<3x4x8x1024xf32, #tpu.memory_space<vmem>>, vector<1x1x1x16xf32>,
    } {sc.loop_unroll_factor = 4 : i64, sc.parallel_access}
    %add3A_103 = arith.constant 48 : i32
    %add3A_104 = arith.addi %mul3A_2, %add3A_103 : i32
    %dma_start3A_105 = arith.constant 0 : i32
    %dma_start3A_106 = arith.constant 0 : i32
    %dma_start3A_107 = arith.constant 0 : i32
    %dma_start3A_108 = arith.constant 0 : i32
    %dma_start3A_109 = tpu.memref_slice %arg6[%dma_start3A_105, %dma_start3A_106, %dma_start3A_107, %dma_start3A_108] : memref<3x4x8x1024xf32, #tpu.memory_space<vmem>> -> memref<1x4x8x1024xf32, #tpu.memory_space<vmem>>
    %dma_start3A_110 = tpu.memref_squeeze %dma_start3A_109 : memref<1x4x8x1024xf32, #tpu.memory_space<vmem>> -> memref<4x8x1024xf32, #tpu.memory_space<vmem>>
    %dma_start3A_111 = arith.constant 0 : i32
    %dma_start3A_112 = arith.constant 0 : i32
    %dma_start3A_113 = tpu.memref_slice %arg4[%dma_start3A_111, %add3A_104, %dma_start3A_112] : memref<4x2048x1024xf32, #tpu.memory_space<hbm>> -> memref<4x8x1024xf32, #tpu.memory_space<hbm>>
    %dma_start3A_114 = arith.constant 0 : i32
    %dma_start3A_115 = arith.constant 0 : i32
    %dma_start3A_116 = tpu.memref_slice %arg4[%dma_start3A_114, %add3A_104, %dma_start3A_115] : memref<4x2048x1024xf32, #tpu.memory_space<hbm>> -> memref<4x8x1024xf32, #tpu.memory_space<hbm>>
    %dma_start3A_117 = arith.constant 0 : i32
    %dma_start3A_118 = arith.constant 0 : i32
    %dma_start3A_119 = arith.constant 0 : i32
    %dma_start3A_120 = tpu.memref_slice %arg6[%dma_start3A_105, %dma_start3A_117, %dma_start3A_118, %dma_start3A_119] : memref<3x4x8x1024xf32, #tpu.memory_space<vmem>> -> memref<1x4x8x1024xf32, #tpu.memory_space<vmem>>
    %dma_start3A_121 = tpu.memref_squeeze %dma_start3A_120 : memref<1x4x8x1024xf32, #tpu.memory_space<vmem>> -> memref<4x8x1024xf32, #tpu.memory_space<vmem>>
    tpu.enqueue_dma source(%dma_start3A_121 : memref<4x8x1024xf32, #tpu.memory_space<vmem>>) target(%dma_start3A_116 : memref<4x8x1024xf32, #tpu.memory_space<hbm>>) target_semaphore(%arg13 : memref<!tpu.dma_semaphore, #tpu.memory_space<semaphore_mem>>)
    %add3A_122 = arith.constant 56 : i32
    %add3A_123 = arith.addi %mul3A_2, %add3A_122 : i32
    %dma_wait3A_124 = arith.constant 1 : i32
    %dma_wait3A_125 = arith.constant 0 : i32
    %dma_wait3A_126 = arith.constant 0 : i32
    %dma_wait3A_127 = tpu.memref_slice %arg5[%dma_wait3A_124, %dma_wait3A_125, %dma_wait3A_126] : memref<3x8x1024xf32, #tpu.memory_space<vmem>> -> memref<1x8x1024xf32, #tpu.memory_space<vmem>>
    %dma_wait3A_128 = tpu.memref_squeeze %dma_wait3A_127 : memref<1x8x1024xf32, #tpu.memory_space<vmem>> -> memref<8x1024xf32, #tpu.memory_space<vmem>>
    %dma_wait3A_129 = arith.constant 0 : i32
    %dma_wait3A_130 = tpu.memref_slice %arg3[%add3A_123, %dma_wait3A_129] : memref<2048x1024xf32, #tpu.memory_space<hbm>> -> memref<8x1024xf32, #tpu.memory_space<hbm>>
    %dma_wait3A_131 = arith.constant 0 : i32
    %dma_wait3A_132 = arith.constant 0 : i32
    %dma_wait3A_133 = tpu.memref_slice %arg5[%dma_wait3A_124, %dma_wait3A_131, %dma_wait3A_132] : memref<3x8x1024xf32, #tpu.memory_space<vmem>> -> memref<1x8x1024xf32, #tpu.memory_space<vmem>>
    %dma_wait3A_134 = tpu.memref_squeeze %dma_wait3A_133 : memref<1x8x1024xf32, #tpu.memory_space<vmem>> -> memref<8x1024xf32, #tpu.memory_space<vmem>>
    %dma_wait3A_135 = arith.constant 0 : i32
    %dma_wait3A_136 = tpu.memref_slice %arg3[%add3A_123, %dma_wait3A_135] : memref<2048x1024xf32, #tpu.memory_space<hbm>> -> memref<8x1024xf32, #tpu.memory_space<hbm>>
    tpu.wait_dma2 semaphore(%arg8 : memref<!tpu.dma_semaphore, #tpu.memory_space<semaphore_mem>>) src(%dma_wait3A_136 : memref<8x1024xf32, #tpu.memory_space<hbm>>) dst(%dma_wait3A_134 : memref<8x1024xf32, #tpu.memory_space<vmem>>)
    %dma_wait3A_137 = arith.constant 1 : i32
    %dma_wait3A_138 = arith.constant 0 : i32
    %dma_wait3A_139 = arith.constant 0 : i32
    %dma_wait3A_140 = arith.constant 0 : i32
    %dma_wait3A_141 = tpu.memref_slice %arg6[%dma_wait3A_137, %dma_wait3A_138, %dma_wait3A_139, %dma_wait3A_140] : memref<3x4x8x1024xf32, #tpu.memory_space<vmem>> -> memref<1x4x8x1024xf32, #tpu.memory_space<vmem>>
    %dma_wait3A_142 = tpu.memref_squeeze %dma_wait3A_141 : memref<1x4x8x1024xf32, #tpu.memory_space<vmem>> -> memref<4x8x1024xf32, #tpu.memory_space<vmem>>
    %dma_wait3A_143 = arith.constant 0 : i32
    %dma_wait3A_144 = arith.constant 0 : i32
    %dma_wait3A_145 = tpu.memref_slice %arg2[%dma_wait3A_143, %add3A_123, %dma_wait3A_144] : memref<4x2048x1024xf32, #tpu.memory_space<hbm>> -> memref<4x8x1024xf32, #tpu.memory_space<hbm>>
    %dma_wait3A_146 = arith.constant 0 : i32
    %dma_wait3A_147 = arith.constant 0 : i32
    %dma_wait3A_148 = arith.constant 0 : i32
    %dma_wait3A_149 = tpu.memref_slice %arg6[%dma_wait3A_137, %dma_wait3A_146, %dma_wait3A_147, %dma_wait3A_148] : memref<3x4x8x1024xf32, #tpu.memory_space<vmem>> -> memref<1x4x8x1024xf32, #tpu.memory_space<vmem>>
    %dma_wait3A_150 = tpu.memref_squeeze %dma_wait3A_149 : memref<1x4x8x1024xf32, #tpu.memory_space<vmem>> -> memref<4x8x1024xf32, #tpu.memory_space<vmem>>
    %dma_wait3A_151 = arith.constant 0 : i32
    %dma_wait3A_152 = arith.constant 0 : i32
    %dma_wait3A_153 = tpu.memref_slice %arg2[%dma_wait3A_151, %add3A_123, %dma_wait3A_152] : memref<4x2048x1024xf32, #tpu.memory_space<hbm>> -> memref<4x8x1024xf32, #tpu.memory_space<hbm>>
    tpu.wait_dma2 semaphore(%arg11 : memref<!tpu.dma_semaphore, #tpu.memory_space<semaphore_mem>>) src(%dma_wait3A_153 : memref<4x8x1024xf32, #tpu.memory_space<hbm>>) dst(%dma_wait3A_150 : memref<4x8x1024xf32, #tpu.memory_space<vmem>>)
    %parallel_loop3A_154 = arith.constant 0 : i32
    %parallel_loop3A_155 = arith.constant 512 : i32
    %parallel_loop3A_156 = arith.constant 1 : i32
    scf.for %parallel_loop3A_233 = %parallel_loop3A_154 to %parallel_loop3A_155 step %parallel_loop3A_156  : i32 {
      %parallel_loop3A_234 = arith.constant 64 : i32
      %parallel_loop3A_235 = arith.divsi %parallel_loop3A_233, %parallel_loop3A_234 : i32
      %parallel_loop3A_236 = arith.constant 0 : i32
      %parallel_loop3A_237 = arith.cmpi sgt, %parallel_loop3A_233, %parallel_loop3A_236 : i32
      %parallel_loop3A_238 = arith.extui %parallel_loop3A_237 : i1 to i32
      %parallel_loop3A_239 = arith.constant 0 : i32
      %parallel_loop3A_240 = arith.cmpi slt, %parallel_loop3A_233, %parallel_loop3A_239 : i32
      %parallel_loop3A_241 = arith.extui %parallel_loop3A_240 : i1 to i32
      %parallel_loop3A_242 = arith.subi %parallel_loop3A_238, %parallel_loop3A_241 : i32
      %parallel_loop3A_243 = arith.constant 0 : i32
      %parallel_loop3A_244 = arith.cmpi sgt, %parallel_loop3A_234, %parallel_loop3A_243 : i32
      %parallel_loop3A_245 = arith.extui %parallel_loop3A_244 : i1 to i32
      %parallel_loop3A_246 = arith.constant 0 : i32
      %parallel_loop3A_247 = arith.cmpi slt, %parallel_loop3A_234, %parallel_loop3A_246 : i32
      %parallel_loop3A_248 = arith.extui %parallel_loop3A_247 : i1 to i32
      %parallel_loop3A_249 = arith.subi %parallel_loop3A_245, %parallel_loop3A_248 : i32
      %parallel_loop3A_250 = arith.cmpi ne, %parallel_loop3A_242, %parallel_loop3A_249 : i32
      %parallel_loop3A_251 = arith.remsi %parallel_loop3A_233, %parallel_loop3A_234 : i32
      %parallel_loop3A_252 = arith.constant 0 : i32
      %parallel_loop3A_253 = arith.cmpi ne, %parallel_loop3A_251, %parallel_loop3A_252 : i32
      %parallel_loop3A_254 = arith.andi %parallel_loop3A_250, %parallel_loop3A_253 : i1
      %parallel_loop3A_255 = arith.constant 1 : i32
      %parallel_loop3A_256 = arith.subi %parallel_loop3A_235, %parallel_loop3A_255 : i32
      %parallel_loop3A_257 = arith.select %parallel_loop3A_254, %parallel_loop3A_256, %parallel_loop3A_235 : i32
      %parallel_loop3A_258 = arith.constant 64 : i32
      %parallel_loop3A_259 = arith.constant 0 : i32
      %parallel_loop3A_260 = arith.cmpi eq, %parallel_loop3A_258, %parallel_loop3A_259 : i32
      %parallel_loop3A_261 = arith.constant 1 : i32
      %parallel_loop3A_262 = arith.select %parallel_loop3A_260, %parallel_loop3A_261, %parallel_loop3A_258 : i32
      %parallel_loop3A_263 = arith.remsi %parallel_loop3A_233, %parallel_loop3A_262 : i32
      %parallel_loop3A_264 = arith.constant 0 : i32
      %parallel_loop3A_265 = arith.cmpi ne, %parallel_loop3A_263, %parallel_loop3A_264 : i32
      %parallel_loop3A_266 = arith.constant 0 : i32
      %parallel_loop3A_267 = arith.cmpi slt, %parallel_loop3A_263, %parallel_loop3A_266 : i32
      %parallel_loop3A_268 = arith.constant 0 : i32
      %parallel_loop3A_269 = arith.cmpi slt, %parallel_loop3A_262, %parallel_loop3A_268 : i32
      %parallel_loop3A_270 = arith.xori %parallel_loop3A_267, %parallel_loop3A_269 : i1
      %parallel_loop3A_271 = arith.andi %parallel_loop3A_270, %parallel_loop3A_265 : i1
      %parallel_loop3A_272 = arith.addi %parallel_loop3A_263, %parallel_loop3A_262 : i32
      %parallel_loop3A_273 = arith.select %parallel_loop3A_271, %parallel_loop3A_272, %parallel_loop3A_263 : i32
      %parallel_loop3A_274 = arith.constant 16 : i32
      %parallel_loop3A_275 = arith.muli %parallel_loop3A_273, %parallel_loop3A_274 : i32
      %parallel_loop3A_276 = arith.constant 1 : i32
      %parallel_loop3A_277 = arith.index_cast %parallel_loop3A_276 : i32 to index
      %parallel_loop3A_278 = arith.index_cast %parallel_loop3A_257 : i32 to index
      %parallel_loop3A_279 = arith.index_cast %parallel_loop3A_275 : i32 to index
      %parallel_loop3A_280 = tpu.vector_load %arg5[%parallel_loop3A_277, %parallel_loop3A_278, %parallel_loop3A_279] {strides = array<i32>} : memref<3x8x1024xf32, #tpu.memory_space<vmem>>, vector<1x1x16xf32>,
      %parallel_loop3A_281 = vector.shape_cast %parallel_loop3A_280 : vector<1x1x16xf32> to vector<16xf32>
      %parallel_loop3A_282 = arith.constant 1 : i32
      %parallel_loop3A_283 = arith.constant 0 : i32
      %parallel_loop3A_284 = arith.index_cast %parallel_loop3A_282 : i32 to index
      %parallel_loop3A_285 = arith.index_cast %parallel_loop3A_283 : i32 to index
      %parallel_loop3A_286 = arith.index_cast %parallel_loop3A_257 : i32 to index
      %parallel_loop3A_287 = arith.index_cast %parallel_loop3A_275 : i32 to index
      %parallel_loop3A_288 = tpu.vector_load %arg6[%parallel_loop3A_284, %parallel_loop3A_285, %parallel_loop3A_286, %parallel_loop3A_287] {strides = array<i32>} : memref<3x4x8x1024xf32, #tpu.memory_space<vmem>>, vector<1x1x1x16xf32>,
      %parallel_loop3A_289 = vector.shape_cast %parallel_loop3A_288 : vector<1x1x1x16xf32> to vector<16xf32>
      %parallel_loop3A_290 = vector.shape_cast %parallel_loop3A_281 : vector<16xf32> to vector<1x1x1x16xf32>
      tpu.vector_store %arg6[%parallel_loop3A_284, %parallel_loop3A_285, %parallel_loop3A_286, %parallel_loop3A_287], %parallel_loop3A_290 {add = true, strides = array<i32>} : memref<3x4x8x1024xf32, #tpu.memory_space<vmem>>, vector<1x1x1x16xf32>,
      %parallel_loop3A_291 = arith.constant 1 : i32
      %parallel_loop3A_292 = arith.constant 1 : i32
      %parallel_loop3A_293 = arith.index_cast %parallel_loop3A_291 : i32 to index
      %parallel_loop3A_294 = arith.index_cast %parallel_loop3A_292 : i32 to index
      %parallel_loop3A_295 = arith.index_cast %parallel_loop3A_257 : i32 to index
      %parallel_loop3A_296 = arith.index_cast %parallel_loop3A_275 : i32 to index
      %parallel_loop3A_297 = tpu.vector_load %arg6[%parallel_loop3A_293, %parallel_loop3A_294, %parallel_loop3A_295, %parallel_loop3A_296] {strides = array<i32>} : memref<3x4x8x1024xf32, #tpu.memory_space<vmem>>, vector<1x1x1x16xf32>,
      %parallel_loop3A_298 = vector.shape_cast %parallel_loop3A_297 : vector<1x1x1x16xf32> to vector<16xf32>
      %parallel_loop3A_299 = vector.shape_cast %parallel_loop3A_281 : vector<16xf32> to vector<1x1x1x16xf32>
      tpu.vector_store %arg6[%parallel_loop3A_293, %parallel_loop3A_294, %parallel_loop3A_295, %parallel_loop3A_296], %parallel_loop3A_299 {add = true, strides = array<i32>} : memref<3x4x8x1024xf32, #tpu.memory_space<vmem>>, vector<1x1x1x16xf32>,
      %parallel_loop3A_300 = arith.constant 1 : i32
      %parallel_loop3A_301 = arith.constant 2 : i32
      %parallel_loop3A_302 = arith.index_cast %parallel_loop3A_300 : i32 to index
      %parallel_loop3A_303 = arith.index_cast %parallel_loop3A_301 : i32 to index
      %parallel_loop3A_304 = arith.index_cast %parallel_loop3A_257 : i32 to index
      %parallel_loop3A_305 = arith.index_cast %parallel_loop3A_275 : i32 to index
      %parallel_loop3A_306 = tpu.vector_load %arg6[%parallel_loop3A_302, %parallel_loop3A_303, %parallel_loop3A_304, %parallel_loop3A_305] {strides = array<i32>} : memref<3x4x8x1024xf32, #tpu.memory_space<vmem>>, vector<1x1x1x16xf32>,
      %parallel_loop3A_307 = vector.shape_cast %parallel_loop3A_306 : vector<1x1x1x16xf32> to vector<16xf32>
      %parallel_loop3A_308 = vector.shape_cast %parallel_loop3A_281 : vector<16xf32> to vector<1x1x1x16xf32>
      tpu.vector_store %arg6[%parallel_loop3A_302, %parallel_loop3A_303, %parallel_loop3A_304, %parallel_loop3A_305], %parallel_loop3A_308 {add = true, strides = array<i32>} : memref<3x4x8x1024xf32, #tpu.memory_space<vmem>>, vector<1x1x1x16xf32>,
      %parallel_loop3A_309 = arith.constant 1 : i32
      %parallel_loop3A_310 = arith.constant 3 : i32
      %parallel_loop3A_311 = arith.index_cast %parallel_loop3A_309 : i32 to index
      %parallel_loop3A_312 = arith.index_cast %parallel_loop3A_310 : i32 to index
      %parallel_loop3A_313 = arith.index_cast %parallel_loop3A_257 : i32 to index
      %parallel_loop3A_314 = arith.index_cast %parallel_loop3A_275 : i32 to index
      %parallel_loop3A_315 = tpu.vector_load %arg6[%parallel_loop3A_311, %parallel_loop3A_312, %parallel_loop3A_313, %parallel_loop3A_314] {strides = array<i32>} : memref<3x4x8x1024xf32, #tpu.memory_space<vmem>>, vector<1x1x1x16xf32>,
      %parallel_loop3A_316 = vector.shape_cast %parallel_loop3A_315 : vector<1x1x1x16xf32> to vector<16xf32>
      %parallel_loop3A_317 = vector.shape_cast %parallel_loop3A_281 : vector<16xf32> to vector<1x1x1x16xf32>
      tpu.vector_store %arg6[%parallel_loop3A_311, %parallel_loop3A_312, %parallel_loop3A_313, %parallel_loop3A_314], %parallel_loop3A_317 {add = true, strides = array<i32>} : memref<3x4x8x1024xf32, #tpu.memory_space<vmem>>, vector<1x1x1x16xf32>,
    } {sc.loop_unroll_factor = 4 : i64, sc.parallel_access}
    %add3A_157 = arith.constant 56 : i32
    %add3A_158 = arith.addi %mul3A_2, %add3A_157 : i32
    %dma_start3A_159 = arith.constant 1 : i32
    %dma_start3A_160 = arith.constant 0 : i32
    %dma_start3A_161 = arith.constant 0 : i32
    %dma_start3A_162 = arith.constant 0 : i32
    %dma_start3A_163 = tpu.memref_slice %arg6[%dma_start3A_159, %dma_start3A_160, %dma_start3A_161, %dma_start3A_162] : memref<3x4x8x1024xf32, #tpu.memory_space<vmem>> -> memref<1x4x8x1024xf32, #tpu.memory_space<vmem>>
    %dma_start3A_164 = tpu.memref_squeeze %dma_start3A_163 : memref<1x4x8x1024xf32, #tpu.memory_space<vmem>> -> memref<4x8x1024xf32, #tpu.memory_space<vmem>>
    %dma_start3A_165 = arith.constant 0 : i32
    %dma_start3A_166 = arith.constant 0 : i32
    %dma_start3A_167 = tpu.memref_slice %arg4[%dma_start3A_165, %add3A_158, %dma_start3A_166] : memref<4x2048x1024xf32, #tpu.memory_space<hbm>> -> memref<4x8x1024xf32, #tpu.memory_space<hbm>>
    %dma_start3A_168 = arith.constant 0 : i32
    %dma_start3A_169 = arith.constant 0 : i32
    %dma_start3A_170 = tpu.memref_slice %arg4[%dma_start3A_168, %add3A_158, %dma_start3A_169] : memref<4x2048x1024xf32, #tpu.memory_space<hbm>> -> memref<4x8x1024xf32, #tpu.memory_space<hbm>>
    %dma_start3A_171 = arith.constant 0 : i32
    %dma_start3A_172 = arith.constant 0 : i32
    %dma_start3A_173 = arith.constant 0 : i32
    %dma_start3A_174 = tpu.memref_slice %arg6[%dma_start3A_159, %dma_start3A_171, %dma_start3A_172, %dma_start3A_173] : memref<3x4x8x1024xf32, #tpu.memory_space<vmem>> -> memref<1x4x8x1024xf32, #tpu.memory_space<vmem>>
    %dma_start3A_175 = tpu.memref_squeeze %dma_start3A_174 : memref<1x4x8x1024xf32, #tpu.memory_space<vmem>> -> memref<4x8x1024xf32, #tpu.memory_space<vmem>>
    tpu.enqueue_dma source(%dma_start3A_175 : memref<4x8x1024xf32, #tpu.memory_space<vmem>>) target(%dma_start3A_170 : memref<4x8x1024xf32, #tpu.memory_space<hbm>>) target_semaphore(%arg14 : memref<!tpu.dma_semaphore, #tpu.memory_space<semaphore_mem>>)
    %add3A_176 = arith.constant 40 : i32
    %add3A_177 = arith.addi %mul3A_2, %add3A_176 : i32
    %dma_wait3A_178 = arith.constant 2 : i32
    %dma_wait3A_179 = arith.constant 0 : i32
    %dma_wait3A_180 = arith.constant 0 : i32
    %dma_wait3A_181 = arith.constant 0 : i32
    %dma_wait3A_182 = tpu.memref_slice %arg6[%dma_wait3A_178, %dma_wait3A_179, %dma_wait3A_180, %dma_wait3A_181] : memref<3x4x8x1024xf32, #tpu.memory_space<vmem>> -> memref<1x4x8x1024xf32, #tpu.memory_space<vmem>>
    %dma_wait3A_183 = tpu.memref_squeeze %dma_wait3A_182 : memref<1x4x8x1024xf32, #tpu.memory_space<vmem>> -> memref<4x8x1024xf32, #tpu.memory_space<vmem>>
    %dma_wait3A_184 = arith.constant 0 : i32
    %dma_wait3A_185 = arith.constant 0 : i32
    %dma_wait3A_186 = tpu.memref_slice %arg4[%dma_wait3A_184, %add3A_177, %dma_wait3A_185] : memref<4x2048x1024xf32, #tpu.memory_space<hbm>> -> memref<4x8x1024xf32, #tpu.memory_space<hbm>>
    %dma_wait3A_187 = arith.constant 0 : i32
    %dma_wait3A_188 = arith.constant 0 : i32
    %dma_wait3A_189 = tpu.memref_slice %arg4[%dma_wait3A_187, %add3A_177, %dma_wait3A_188] : memref<4x2048x1024xf32, #tpu.memory_space<hbm>> -> memref<4x8x1024xf32, #tpu.memory_space<hbm>>
    %dma_wait3A_190 = arith.constant 0 : i32
    %dma_wait3A_191 = arith.constant 0 : i32
    %dma_wait3A_192 = arith.constant 0 : i32
    %dma_wait3A_193 = tpu.memref_slice %arg6[%dma_wait3A_178, %dma_wait3A_190, %dma_wait3A_191, %dma_wait3A_192] : memref<3x4x8x1024xf32, #tpu.memory_space<vmem>> -> memref<1x4x8x1024xf32, #tpu.memory_space<vmem>>
    %dma_wait3A_194 = tpu.memref_squeeze %dma_wait3A_193 : memref<1x4x8x1024xf32, #tpu.memory_space<vmem>> -> memref<4x8x1024xf32, #tpu.memory_space<vmem>>
    tpu.wait_dma2 semaphore(%arg15 : memref<!tpu.dma_semaphore, #tpu.memory_space<semaphore_mem>>) src(%dma_wait3A_194 : memref<4x8x1024xf32, #tpu.memory_space<vmem>>) dst(%dma_wait3A_189 : memref<4x8x1024xf32, #tpu.memory_space<hbm>>)
    %add3A_195 = arith.constant 48 : i32
    %add3A_196 = arith.addi %mul3A_2, %add3A_195 : i32
    %dma_wait3A_197 = arith.constant 0 : i32
    %dma_wait3A_198 = arith.constant 0 : i32
    %dma_wait3A_199 = arith.constant 0 : i32
    %dma_wait3A_200 = arith.constant 0 : i32
    %dma_wait3A_201 = tpu.memref_slice %arg6[%dma_wait3A_197, %dma_wait3A_198, %dma_wait3A_199, %dma_wait3A_200] : memref<3x4x8x1024xf32, #tpu.memory_space<vmem>> -> memref<1x4x8x1024xf32, #tpu.memory_space<vmem>>
    %dma_wait3A_202 = tpu.memref_squeeze %dma_wait3A_201 : memref<1x4x8x1024xf32, #tpu.memory_space<vmem>> -> memref<4x8x1024xf32, #tpu.memory_space<vmem>>
    %dma_wait3A_203 = arith.constant 0 : i32
    %dma_wait3A_204 = arith.constant 0 : i32
    %dma_wait3A_205 = tpu.memref_slice %arg4[%dma_wait3A_203, %add3A_196, %dma_wait3A_204] : memref<4x2048x1024xf32, #tpu.memory_space<hbm>> -> memref<4x8x1024xf32, #tpu.memory_space<hbm>>
    %dma_wait3A_206 = arith.constant 0 : i32
    %dma_wait3A_207 = arith.constant 0 : i32
    %dma_wait3A_208 = tpu.memref_slice %arg4[%dma_wait3A_206, %add3A_196, %dma_wait3A_207] : memref<4x2048x1024xf32, #tpu.memory_space<hbm>> -> memref<4x8x1024xf32, #tpu.memory_space<hbm>>
    %dma_wait3A_209 = arith.constant 0 : i32
    %dma_wait3A_210 = arith.constant 0 : i32
    %dma_wait3A_211 = arith.constant 0 : i32
    %dma_wait3A_212 = tpu.memref_slice %arg6[%dma_wait3A_197, %dma_wait3A_209, %dma_wait3A_210, %dma_wait3A_211] : memref<3x4x8x1024xf32, #tpu.memory_space<vmem>> -> memref<1x4x8x1024xf32, #tpu.memory_space<vmem>>
    %dma_wait3A_213 = tpu.memref_squeeze %dma_wait3A_212 : memref<1x4x8x1024xf32, #tpu.memory_space<vmem>> -> memref<4x8x1024xf32, #tpu.memory_space<vmem>>
    tpu.wait_dma2 semaphore(%arg13 : memref<!tpu.dma_semaphore, #tpu.memory_space<semaphore_mem>>) src(%dma_wait3A_213 : memref<4x8x1024xf32, #tpu.memory_space<vmem>>) dst(%dma_wait3A_208 : memref<4x8x1024xf32, #tpu.memory_space<hbm>>)
    %add3A_214 = arith.constant 56 : i32
    %add3A_215 = arith.addi %mul3A_2, %add3A_214 : i32
    %dma_wait3A_216 = arith.constant 1 : i32
    %dma_wait3A_217 = arith.constant 0 : i32
    %dma_wait3A_218 = arith.constant 0 : i32
    %dma_wait3A_219 = arith.constant 0 : i32
    %dma_wait3A_220 = tpu.memref_slice %arg6[%dma_wait3A_216, %dma_wait3A_217, %dma_wait3A_218, %dma_wait3A_219] : memref<3x4x8x1024xf32, #tpu.memory_space<vmem>> -> memref<1x4x8x1024xf32, #tpu.memory_space<vmem>>
    %dma_wait3A_221 = tpu.memref_squeeze %dma_wait3A_220 : memref<1x4x8x1024xf32, #tpu.memory_space<vmem>> -> memref<4x8x1024xf32, #tpu.memory_space<vmem>>
    %dma_wait3A_222 = arith.constant 0 : i32
    %dma_wait3A_223 = arith.constant 0 : i32
    %dma_wait3A_224 = tpu.memref_slice %arg4[%dma_wait3A_222, %add3A_215, %dma_wait3A_223] : memref<4x2048x1024xf32, #tpu.memory_space<hbm>> -> memref<4x8x1024xf32, #tpu.memory_space<hbm>>
    %dma_wait3A_225 = arith.constant 0 : i32
    %dma_wait3A_226 = arith.constant 0 : i32
    %dma_wait3A_227 = tpu.memref_slice %arg4[%dma_wait3A_225, %add3A_215, %dma_wait3A_226] : memref<4x2048x1024xf32, #tpu.memory_space<hbm>> -> memref<4x8x1024xf32, #tpu.memory_space<hbm>>
    %dma_wait3A_228 = arith.constant 0 : i32
    %dma_wait3A_229 = arith.constant 0 : i32
    %dma_wait3A_230 = arith.constant 0 : i32
    %dma_wait3A_231 = tpu.memref_slice %arg6[%dma_wait3A_216, %dma_wait3A_228, %dma_wait3A_229, %dma_wait3A_230] : memref<3x4x8x1024xf32, #tpu.memory_space<vmem>> -> memref<1x4x8x1024xf32, #tpu.memory_space<vmem>>
    %dma_wait3A_232 = tpu.memref_squeeze %dma_wait3A_231 : memref<1x4x8x1024xf32, #tpu.memory_space<vmem>> -> memref<4x8x1024xf32, #tpu.memory_space<vmem>>
    tpu.wait_dma2 semaphore(%arg14 : memref<!tpu.dma_semaphore, #tpu.memory_space<semaphore_mem>>) src(%dma_wait3A_232 : memref<4x8x1024xf32, #tpu.memory_space<vmem>>) dst(%dma_wait3A_227 : memref<4x8x1024xf32, #tpu.memory_space<hbm>>)
    return
  }
}

</mosaic_0001>

<sc_bundles>
// kernel: kernel.3.cloned.1.call-start
scs
__scs_entry_jumppad:
0x0: {  	(pc) =	sbr.rel $0x88, $3  }
0x1: {  	(tag) =	ssettag $0x0;
	lr =	simm.s32 $0x1  }
0x2: {  	[smem:$0x3F9F] =	sst lr;
	_ =	strace $0xD0000000  }
0x3: {  	_ = 	snop  }
0x4: {  	_ = 	snop  }
0x5: {  	_ = 	snop  }
0x6: {  	_ = 	snop  }
0x7: {  	_ = 	snop  }
__scs_overlays_trampoline_lowered:
0x8: {  	[smem:$0x3FAE] =	sst s0  }
0x9: {  	[smem:$0x3FAF] =	sst s1  }
0xa: {  	[smem:$0x3FB0] =	sst s2  }
0xb: {  	[smem:$0x3FB1] =	sst s3  }
0xc: {  	[smem:$0x3FB2] =	sst s4  }
0xd: {  	[smem:$0x3FB3] =	sst s5  }
0xe: {  	[smem:$0x3FB4] =	sst s6  }
0xf: {  	[smem:$0x3FB5] =	sst s7  }
0x10: {  	[smem:$0x3FB6] =	sst s8  }
0x11: {  	[smem:$0x3FB7] =	sst s9;
	s0 =	simm.s32 @!p0 $0x0  }
0x12: {  	s1 =	sld [smem:$0x3F9D];
	s0 =	simm.s32 @p0 $0x1  }
0x13: {  	[smem:$0x3FB8] =	sst s0;
	s0 =	simm.s32 @!p1 $0x0  }
0x14: {  	s2 =	sld [smem:$0x3F9C];
	s0 =	simm.s32 @p1 $0x1  }
0x15: {  	[smem:$0x3FB9] =	sst s0;
	s0 =	simm.s32 @!p2 $0x0  }
0x16: {  	s3 =	sld [smem:$0x3FDB];
	s0 =	simm.s32 @p2 $0x1  }
0x17: {  	s4 =	simm.s32 $0x1BF5;
	[smem:$0x3FBB] =	sst s0  }
0x18: {  	s0 =	sld [smem:$0x3F9E];
	_ =	swait.ge [sflag:s4], $0x0  }
0x19: {  	s7 =	sld [smem:$0x3F9F]  }
0x1a: {  	s8 =	sadd.s32 $0xFFFFE003, lr  }
0x1b: {  	s9 =	sadd.s32 $0xFFFFFEF7, lr;
	s5 =	simm.s32 $0xFFFFFFFF;
	p2 =	slt.u32 s8, $0xFFFFF086  }
0x1c: {  	p1 =	slt.u32 s9, $0xF7A;
	s5 =	simm.s32 @!p2 $0x0  }
0x1d: {  	s5 =	simm.s32 @p1 $0x1;
	p0 =	seq.s32 s7, s2  }
0x1e: {  	s7 =	smul.u32 @!p0 $0xF7A, s2;
	p2 =	seq.s32 @!p0 s5, $0x0  }
0x1f: {  	s9 =	smul.u32 $0xF7A, s1;
	s8 =	simm.s32 @!p0 $0x1BF5;
	p2 =	por !p2, p0  }
0x20: {  	[sflag:s8] =	ssyncset.s32 @!p0 $0xFFFFF086;
	s6 =	sadd.s32 @!p0 s3, s7;
	s7 =	simm.s32 @!p0 $0x108  }
0x21: {  	s3 =	sadd.s32 s3, s9;
	s6 =	sadd.s32 @!p0 $0x88, s6;
	s7 =	simm.s32 @p2 $0x1082  }
0x22: {  	[simem:s7], [sflag:s8] =	dma.local @!p0 [hbm:s6], $0xF7A  }
0x23: {  	s9 =	sor.u32 $0xD0000000, s2;
	s6 =	simm.s32 $0x108;
	_ =	swait.ge @!p0 [sflag:s8], $0x0  }
0x24: {  	s3 =	sadd.s32 $0x88, s3;
	s6 =	simm.s32 @!p1 $0x1082;
	[sflag:s4] =	ssyncset.s32 $0xFFFFF086  }
0x25: {  	[simem:s6], [sflag:s4] =	dma.local [hbm:s3], $0xF7A  }
0x26: {  	[smem:$0x3F9F] =	sst s1;
	(tag) =	ssettag s2;
	_ =	strace s9  }
0x27: {  	s1 =	sld [smem:$0x3FAF]  }
0x28: {  	s2 =	sld [smem:$0x3FB0]  }
0x29: {  	s4 =	sld [smem:$0x3FB2]  }
0x2a: {  	p0 =	seq.s32 s5, $0x0;
	s5 =	sld [smem:$0x3FB3]  }
0x2b: {  	s6 =	sld [smem:$0x3FB4]  }
0x2c: {  	s7 =	sld [smem:$0x3FB5]  }
0x2d: {  	s3 =	simm.s32 $0x108;
	s8 =	sld [smem:$0x3FB6]  }
0x2e: {  	s3 =	simm.s32 @!p0 $0x1082;
	s9 =	sld [smem:$0x3FB7]  }
0x2f: {  	lr =	sadd.s32 s0, s3;
	s0 =	sld [smem:$0x3FAE]  }
0x30: {  	s3 =	sld [smem:$0x3FB1]  }
0x31: {  	[smem:$0x3FBA] =	sst s10  }
0x32: {  	s10 =	sld [smem:$0x3FB8];
	_ =	sdelay $0x3  }
0x33: {  	p0 =	seq.s32 s10, $0x1;
	s10 =	sld [smem:$0x3FBA];
	_ =	sdelay $0x3  }
0x34: {  	[smem:$0x3FBA] =	sst s10  }
0x35: {  	s10 =	sld [smem:$0x3FB9];
	_ =	sdelay $0x3  }
0x36: {  	p1 =	seq.s32 s10, $0x1;
	s10 =	sld [smem:$0x3FBA];
	_ =	sdelay $0x3  }
0x37: {  	[smem:$0x3FBA] =	sst s10  }
0x38: {  	s10 =	sld [smem:$0x3FBB]  }
0x39: {  	_ = 	snop;
	(pc) =	sbr.ind lr, $3  }
0x3a: {  	_ = 	snop  }
0x3b: {  	_ = 	snop  }
0x3c: {  	p2 =	seq.s32 s10, $0x1;
	s10 =	sld [smem:$0x3FBA]  }
0x3d: {  	_ =	shalt  }
0x3e: {  	_ =	shalt  }
0x3f: {  	_ =	shalt  }
0x40: {  	_ =	shalt  }
0x41: {  	_ =	shalt  }
0x42: {  	_ =	shalt  }
0x43: {  	_ =	shalt  }
0x44: {  	_ =	shalt  }
0x45: {  	_ =	shalt  }
0x46: {  	_ =	shalt  }
0x47: {  	_ =	shalt  }
0x48: {  	_ =	shalt  }
0x49: {  	_ =	shalt  }
0x4a: {  	_ =	shalt  }
0x4b: {  	_ =	shalt  }
0x4c: {  	_ =	shalt  }
0x4d: {  	_ =	shalt  }
0x4e: {  	_ =	shalt  }
0x4f: {  	_ =	shalt  }
0x50: {  	_ =	shalt  }
0x51: {  	_ =	shalt  }
0x52: {  	_ =	shalt  }
0x53: {  	_ =	shalt  }
0x54: {  	_ =	shalt  }
0x55: {  	_ =	shalt  }
0x56: {  	_ =	shalt  }
0x57: {  	_ =	shalt  }
0x58: {  	_ =	shalt  }
0x59: {  	_ =	shalt  }
0x5a: {  	_ =	shalt  }
0x5b: {  	_ =	shalt  }
0x5c: {  	_ =	shalt  }
0x5d: {  	_ =	shalt  }
0x5e: {  	_ =	shalt  }
0x5f: {  	_ =	shalt  }
0x60: {  	_ =	shalt  }
0x61: {  	_ =	shalt  }
0x62: {  	_ =	shalt  }
0x63: {  	_ =	shalt  }
0x64: {  	_ =	shalt  }
0x65: {  	_ =	shalt  }
0x66: {  	_ =	shalt  }
0x67: {  	_ =	shalt  }
0x68: {  	_ =	shalt  }
0x69: {  	_ =	shalt  }
0x6a: {  	_ =	shalt  }
0x6b: {  	_ =	shalt  }
0x6c: {  	_ =	shalt  }
0x6d: {  	_ =	shalt  }
0x6e: {  	_ =	shalt  }
0x6f: {  	_ =	shalt  }
0x70: {  	_ =	shalt  }
0x71: {  	_ =	shalt  }
0x72: {  	_ =	shalt  }
0x73: {  	_ =	shalt  }
0x74: {  	_ =	shalt  }
0x75: {  	_ =	shalt  }
0x76: {  	_ =	shalt  }
0x77: {  	_ =	shalt  }
0x78: {  	_ =	shalt  }
0x79: {  	_ =	shalt  }
0x7a: {  	_ =	shalt  }
0x7b: {  	_ =	shalt  }
0x7c: {  	_ =	shalt  }
0x7d: {  	_ =	shalt  }
0x7e: {  	_ =	shalt  }
0x7f: {  	_ =	shalt  }
0x80: {  	_ =	shalt  }
0x81: {  	_ =	shalt  }
0x82: {  	_ =	shalt  }
0x83: {  	_ =	shalt  }
0x84: {  	_ =	shalt  }
0x85: {  	_ =	shalt  }
0x86: {  	_ =	shalt  }
0x87: {  	_ =	shalt  }
.Lfunc_end0:
.L_simem_size_0:
called_computation_lowered:
.L_overlay_start_0:
0x88: {  	s2 =	sld [smem:$0x3FD9]  }
0x89: {  	s3 =	sld [smem:$0x3FFE];
	_ =	sdelay $0x1  }
0x8a: {  	s1 =	srdreg.scid  }
0x8b: {  	s0 =	sand.u32 $0x1, s1  }
0x8c: {  	s18 =	sshll.u32 s0, $0xA;
	s2 =	sadd.s32 s3, s2  }
0x8d: {  	s2 =	sadd.s32 s2, s18  }
0x8e: {  	[smem:$0x3FC6] =	sst s2  }
0x8f: {  	_ = 	snop  }
0x90: {  	s2 =	sld [smem:$0x3FC9]  }
0x91: {  	s19 =	sld [smem:$0x3FC8]  }
0x92: {  	s4 =	sld [smem:$0x3FD0];
	(tm) =	ssettm $0x1  }
0x93: {  	s5 =	sld [smem:$0x3FFB];
	_ =	sdelay $0x3  }
0x94: {  	_ =	strace s5  }
0x95: {  	s5 =	sld [smem:$0x3FFC];
	_ =	sdelay $0x3  }
0x96: {  	_ =	strace s5  }
0x97: {  	s5 =	sld [smem:$0x3FFD];
	_ =	sdelay $0x3  }
0x98: {  	_ =	strace s5  }
0x99: {  	_ =	strace $0x8FFFFFFF  }
0x9a: {  	s20 =	sld [smem:$0x3FDB];
	_ =	sdelay $0x1  }
0x9b: {  	s6 =	simm.s32 $_scs_section_size  }
0x9c: {  	s7 =	simm.s32 $_size__tile_overlayer_lowered;
	s8 =	simm.s32 $_tile_overlayer_lowered  }
0x9d: {  	s23 =	simm.s32 $0x1BFF;
	s22 =	sshll.u32 s8, $0x1;
	s5 =	sadd.s32 s6, s20  }
0x9e: {  	s9 =	simm.s32 $0x0;
	s21 =	sshll.u32 s7, $0x1;
	s7 =	sadd.s32 s22, s5  }
0x9f: {  	[timem:s9], [sflag:s23] =	dma.local [hbm:s7], s21  }
0xa0: {  	_ =	swait.ge [sflag:s23], s21  }
0xa1: {  	s6 =	ssub.s32 $0x0, s21;
	[sflag:s23] =	ssyncset.done $0x0  }
0xa2: {  	[sflag:s23] =	ssyncadd.s32 s6;
	_ =	sdelay $0x1  }
0xa3: {  	s24 =	simm.s32 $0x1B8B  }
0xa4: {  	_ =	swait.ge [sflag:s24], $0x1  }
0xa5: {  	[sflag:s24] =	ssyncset.done $0x0  }
0xa6: {  	s25 =	simm.s32 $0x1B8E;
	[sflag:s24] =	ssyncadd.s32 $0xFFFFFFFF  }
0xa7: {  	s26 =	simm.s32 $execute0_lowered;
	[smem:$0x3FD2] =	sst s25  }
0xa8: {  	s6 =	sshll.u32 s26, $0x1;
	_ =	strace $0x80000046;
	[dreg:$0x1] =	wrdreg $0xFFFFFFFF  }
0xa9: {  	s28 =	simm.s32 $_size_execute0_lowered;
	s5 =	sadd.s32 s5, s6;
	[dreg:$0x0] =	wrdreg $0x0  }
0xaa: {  	s6 =	sshll.u32 s28, $0x1;
	[dreg:$0x2] =	wrdreg s5  }
0xab: {  	[dreg:$0x3] =	wrdreg s6  }
0xac: {  	[dreg:$0x4] =	wrdreg $0xC0  }
0xad: {  	_ =	task [dreg:s9], $0x5FFFF  }
0xae: {  	[dreg:$0x1] =	wrdreg $0xFFFFFFFF  }
0xaf: {  	[dreg:$0x0] =	wrdreg $0x60  }
0xb0: {  	[dreg:$0x2] =	wrdreg s2  }
0xb1: {  	[dreg:$0x3] =	wrdreg s19  }
0xb2: {  	[dreg:$0x4] =	wrdreg s4  }
0xb3: {  	[dreg:$0x5] =	wrdreg $0x9  }
0xb4: {  	_ =	task.clear_ibuf [dreg:s9], $0x6FFFF;
	_ =	strace $0x90000046  }
0xb5: {  	s29 =	simm.s32 $0x9;
	_ =	strace $0x80000048  }
0xb6: {  	_ =	swait.ge [sflag:s29], $0x1  }
0xb7: {  	[sflag:s29] =	ssyncadd.s32 $0xFFFFFFFF  }
0xb8: {  	_ =	strace $0x90000048  }
0xb9: {  	_ =	sfence  }
0xba: {  	s30 =	sld [smem:$0x0];
	_ =	sdelay $0x2  }
0xbb: {  	s31 =	sshll.u32 s1, $0xD;
	s1 =	sshrl.u32 s1, $0x2  }
0xbc: {  	s3 =	sand.u32 $0x4000, s31;
	s1 =	sadd.s32 s1, s30  }
0xbd: {  	s0 =	sor.u32 s3, s0;
	s1 =	sshll.u32 s1, $0x11  }
0xbe: {  	s0 =	sor.u32 s1, s0  }
0xbf: {  	s0 =	sadd.s32 $0x8F2B, s0  }
0xc0: {  	[sflag:s0] =	ssyncadd.remote.s32 $0x1  }
0xc1: {  	_ =	sfence.sel $0xFFFF  }
0xc2: {  	[dreg:$0x0] =	wrdreg $0xFFFFFFFF;
	(pc) =	sbr.abs _section_cstart, $3  }
0xc3: {  	[dreg:$0x1] =	wrdreg $0xFFFFFFFF  }
0xc4: {  	_ =	task.clear_ibuf [dreg:s9], $0x2FFFF;
	_ =	strace $0x9FFFFFFF  }
0xc5: {  	(tm) =	ssettm $0x7FFFFFFF  }
tec
execute0_lowered:
.L_overlay_start_1:
0x0: {  	(tag) =	ssettag $0x1  }
0x1: {  	s31 =	rddreg [dreg:$0x0]  }
0x2: {  	s3 =	rddreg [dreg:$0x1]  }
0x3: {  	s4 =	rddreg [dreg:$0x2];
	s0 =	srdreg.scid  }
0x4: {  	s1 =	stileid.u32;
	s6 =	simm.s32 $0x0;
	s28 =	simm.s32 $0x2  }
0x5: {  	s29 =	simm.s32 $0x5;
	s30 =	simm.s32 $0x8;
	s0 =	sand.u32 $0x1, s0  }
0x6: {  	s2 =	sshll.u32 s1, $0x7;
	[smem:$0x7FF] =	sst s6;
	s5 =	sshll.u32 s0, $0x6  }
0x7: {  	s0 =	ssub.s32 $0x2, s0;
	_ =	strace $0x80000047;
	s1 =	sor.u32 s5, s2  }
0x8: {  	s18 =	sshrl.u32 s0, $0x1;
	s22 =	sor.u32 $0x8, s1;
	[dreg:$0x4] =	wrdreg s1  }
0x9: {  	s5 =	sshll.u32 s1, $0x7;
	s1 =	sshrl.u32 s1, $0x3;
	[dreg:$0x9] =	wrdreg s22  }
0xa: {  	s0 =	ssub.s32 s0, s18;
	s19 =	sadd.s32 s3, s5;
	[dreg:$0xa] =	wrdreg s1  }
0xb: {  	s18 =	simm.s32 $0x2000;
	s21 =	sadd.s32 s31, s5;
	[dreg:$0x5] =	wrdreg s19  }
0xc: {  	s20 =	sor.u32 $0x400, s5;
	s24 =	sor.u32 $0x2, s1;
	[dreg:$0x6] =	wrdreg s21  }
0xd: {  	s23 =	sadd.s32 s5, s4;
	s1 =	sor.u32 $0x3, s1;
	[dreg:$0xb] =	wrdreg s24  }
0xe: {  	s0 =	smax.u32 s0, $0x1;
	s22 =	simm.s32 $0xE000;
	[dreg:$0xc] =	wrdreg s1  }
0xf: {  	s3 =	sadd.s32 s3, s20;
	s2 =	sadd.s32 s31, s20;
	[dreg:$0xf] =	wrdreg s0  }
0x10: {  	s25 =	sadd.s32 $0x1800, s23;
	s26 =	sadd.s32 $0x1C00, s23;
	[dreg:$0x7] =	wrdreg s3  }
0x11: {  	s19 =	simm.s32 $0x200000;
	s24 =	simm.s32 $0x6000;
	[dreg:$0x8] =	wrdreg s2  }
0x12: {  	s23 =	simm.s32 $0x16000;
	s1 =	simm.s32 $0x0;
	[dreg:$0xd] =	wrdreg s25  }
0x13: {  	[dreg:$0xe] =	wrdreg s26;
	s25 =	simm.s32 $0x4;
	s26 =	simm.s32 $0x7  }
.LBB2_1:
0x14: {  	[dreg:$0x10] =	wrdreg s1  }
0x15: {  	s0 =	simm.s32 $0x0;
	s17 =	rddreg [dreg:$0x5]  }
0x16: {  	[tilespmem:s0], [sflag:$0x1] =	stream.linear.gather [hbm4b:s17+s0], $0x2000, $0x38;
	[tilespmem:$0x1E000] =	vst v63  }
0x17: {  	s20 =	rddreg [dreg:$0x6]  }
0x18: {  	[tilespmem:s24], [sflag:$0x4] =	stream.strided.gather [hbm4b:s20+s18], $0x8000, s19, s18, $0x38;
	[tilespmem:$0x1E000] =	vst v63  }
0x19: {  	s21 =	rddreg [dreg:$0x7]  }
0x1a: {  	[tilespmem:s18], [sflag:$0x2] =	stream.linear.gather [hbm4b:s21+s0], $0x2000, $0x38;
	[tilespmem:$0x1E000] =	vst v63  }
0x1b: {  	p1 =	por $0x1, $0x1;
	s9 =	simm.s32 $0x0;
	s24 =	rddreg [dreg:$0x8]  }
0x1c: {  	[tilespmem:s22], [sflag:$0x5] =	stream.strided.gather [hbm4b:s24+s18], $0x8000, s19, s18, $0x38;
	[tilespmem:$0x1E000] =	vst v63  }
.LBB2_2:
0x1d: {  	s2 =	simm.s32 @!p1 $0x9  }
0x1e: {  	s8 =	smul.u32 $0x3, s9;
	_ =	swait.ge @!p1 [sflag:s2], $0x8000  }
0x1f: {  	s0 =	rddreg [dreg:$0xb];
	[sflag:s2] =	ssyncset.done @!p1 $0x0  }
0x20: {  	s5 =	sadd.s32 s0, s8;
	[sflag:s2] =	ssyncadd.s32 @!p1 $0xFFFF8000  }
0x21: {  	s7 =	sshll.u32 s5, $0xA;
	s16 =	rddreg [dreg:$0x1]  }
0x22: {  	s20 =	simm.s32 $0x0;
	s21 =	simm.s32 $0x4000;
	s17 =	sadd.s32 s16, s7  }
0x23: {  	[tilespmem:s21], [sflag:$0x3] =	stream.linear.gather [hbm4b:s17+s20], $0x2000, $0x38;
	[tilespmem:$0x1E000] =	vst v63  }
0x24: {  	s24 =	smov.u32 s31;
	s22 =	sadd.s32 s31, s7;
	s31 =	simm.s32 $0x1  }
0x25: {  	[tilespmem:s23], [sflag:$0x6] =	stream.strided.gather [hbm4b:s22+s18], $0x8000, s19, s18, $0x38;
	[tilespmem:$0x1E000] =	vst v63  }
0x26: {  	_ =	swait.ge [sflag:s31], $0x2000  }
0x27: {  	[sflag:s31] =	ssyncset.done $0x0  }
0x28: {  	s1 =	sand.u32 $0x40, s20;
	[sflag:s31] =	ssyncadd.s32 $0xFFFFE000  }
0x29: {  	s6 =	sand.u32 $0x1C00, s20;
	s5 =	sand.u32 $0x380, s20;
	_ =	swait.ge [sflag:s25], $0x8000  }
0x2a: {  	s3 =	sor.u32 $0x30, s1;
	s5 =	sor.u32 s5, s6;
	[sflag:s25] =	ssyncset.done $0x0  }
0x2b: {  	s10 =	sor.u32 s3, s5;
	[sflag:s25] =	ssyncadd.s32 $0xFFFF8000  }
0x2c: {  	s11 =	sor.u32 s1, s5;
	s17 =	sor.u32 $0x10, s1;
	v0 =	vld [tilespmem:s10+$0x0]  }
0x2d: {  	s22 =	sor.u32 s17, s5;
	v1 =	vld [tilespmem:s11+$0x0]  }
0x2e: {  	v2 =	vld [tilespmem:s22+$0x0];
	_ =	sdelay $0x1  }
0x2f: {  	s10 =	sor.u32 $0x6000, s10  }
0x30: {  	s13 =	sor.u32 $0x6000, s11;
	[tilespmem:s10+$0x0] =	vst.add.f32.msk $0xffff, v0  }
0x31: {  	s15 =	sor.u32 $0x8000, s5;
	s23 =	sor.u32 $0x6000, s22;
	[tilespmem:s13+$0x0] =	vst.add.f32.msk $0xffff, v1  }
0x32: {  	s4 =	sor.u32 s3, s15;
	[tilespmem:s23+$0x0] =	vst.add.f32.msk $0xffff, v2  }
0x33: {  	s16 =	sor.u32 $0xA000, s5;
	s14 =	sor.u32 s1, s15;
	[tilespmem:s4+$0x0] =	vst.add.f32.msk $0xffff, v0  }
0x34: {  	s12 =	sor.u32 s3, s16;
	[tilespmem:s14+$0x0] =	vst.add.f32.msk $0xffff, v1  }
0x35: {  	s31 =	sor.u32 s17, s15;
	[tilespmem:s12+$0x0] =	vst.add.f32.msk $0xffff, v0;
	s12 =	sor.u32 $0xC000, s5  }
0x36: {  	s20 =	sor.u32 $0x20, s1;
	[tilespmem:s31+$0x0] =	vst.add.f32.msk $0xffff, v2;
	s6 =	sor.u32 s3, s12  }
0x37: {  	s5 =	sor.u32 s20, s5;
	[tilespmem:s6+$0x0] =	vst.add.f32.msk $0xffff, v0  }
0x38: {  	s21 =	sor.u32 s1, s16;
	v0 =	vld [tilespmem:s5+$0x0]  }
0x39: {  	p0 =	por p1, p1;
	s22 =	sor.u32 s20, s16;
	s13 =	sor.u32 s17, s16;
	[tilespmem:s21+$0x0] =	vst.add.f32.msk $0xffff, v1  }
0x3a: {  	s10 =	simm.s32 $0x0;
	s16 =	simm.s32 $0x200;
	[tilespmem:s13+$0x0] =	vst.add.f32.msk $0xffff, v2;
	s2 =	sor.u32 s1, s12  }
0x3b: {  	s17 =	sor.u32 s17, s12;
	[tilespmem:s2+$0x0] =	vst.add.f32.msk $0xffff, v1;
	s2 =	sor.u32 $0x6000, s5;
	s6 =	sor.u32 s20, s15  }
0x3c: {  	s5 =	sor.u32 s20, s12;
	[tilespmem:s17+$0x0] =	vst.add.f32.msk $0xffff, v2;
	s15 =	simm.s32 $0x40;
	s17 =	simm.s32 $0x8  }
.LBB2_3:
0x3d: {  	s11 =	sand.u32 $0x40, s15;
	s12 =	sand.u32 $0x1C00, s16;
	s13 =	sand.u32 $0x380, s17;
	[tilespmem:s2+$0x0] =	vst.add.f32.msk $0xffff, v0  }
0x3e: {  	s12 =	sor.u32 s13, s12;
	s13 =	sor.u32 $0x10, s11;
	s14 =	sor.u32 $0x30, s11;
	[tilespmem:s6+$0x0] =	vst.add.f32.msk $0xffff, v0  }
0x3f: {  	s23 =	sor.u32 $0x20, s11;
	s2 =	sor.u32 s11, s12;
	s6 =	sor.u32 s14, s12;
	[tilespmem:s22+$0x0] =	vst.add.f32.msk $0xffff, v0  }
0x40: {  	s10 =	sadd.s32 $0x4, s10;
	s22 =	sor.u32 s13, s12;
	s20 =	sor.u32 s23, s12;
	v1 =	vld [tilespmem:s6+$0x0]  }
0x41: {  	p1 =	slt.u32 s10, $0x1FC;
	s21 =	sor.u32 $0x6000, s2;
	s1 =	sor.u32 $0x6000, s22;
	v2 =	vld [tilespmem:s2+$0x0]  }
0x42: {  	s2 =	sor.u32 $0x6000, s20;
	v3 =	vld [tilespmem:s22+$0x0]  }
0x43: {  	v4 =	vld [tilespmem:s20+$0x0]  }
0x44: {  	s6 =	sor.u32 $0x6000, s6;
	s20 =	sor.u32 $0x8000, s12;
	[tilespmem:s5+$0x0] =	vst.add.f32.msk $0xffff, v0  }
0x45: {  	s3 =	sor.u32 s11, s20;
	s5 =	sor.u32 $0xA000, s12;
	[tilespmem:s6+$0x0] =	vst.add.f32.msk $0xffff, v1;
	s6 =	sor.u32 s14, s20  }
0x46: {  	s12 =	sor.u32 $0xC000, s12;
	s4 =	sor.u32 s11, s5;
	[tilespmem:s6+$0x0] =	vst.add.f32.msk $0xffff, v1;
	s6 =	sor.u32 s14, s5  }
0x47: {  	s31 =	sor.u32 s13, s20;
	s11 =	sor.u32 s11, s12;
	s14 =	sor.u32 s14, s12;
	[tilespmem:s6+$0x0] =	vst.add.f32.msk $0xffff, v1  }
0x48: {  	s0 =	sor.u32 s13, s5;
	s13 =	sor.u32 s13, s12;
	s6 =	sor.u32 s23, s20;
	[tilespmem:s14+$0x0] =	vst.add.f32.msk $0xffff, v1;
	v0 =	vmov v4  }
0x49: {  	s22 =	sor.u32 s23, s5;
	s5 =	sor.u32 s23, s12;
	[tilespmem:s21+$0x0] =	vst.add.f32.msk $0xffff, v2  }
0x4a: {  	[tilespmem:s3+$0x0] =	vst.add.f32.msk $0xffff, v2  }
0x4b: {  	[tilespmem:s4+$0x0] =	vst.add.f32.msk $0xffff, v2  }
.Ltmp0:
0x4c: {  	[tilespmem:s11+$0x0] =	vst.add.f32.msk $0xffff, v2;
	(pc) =	sbr.rel @p1 .LBB2_3-.Ltmp0, $4  }
0x4d: {  	[tilespmem:s1+$0x0] =	vst.add.f32.msk $0xffff, v3  }
0x4e: {  	[tilespmem:s31+$0x0] =	vst.add.f32.msk $0xffff, v3  }
0x4f: {  	[tilespmem:s0+$0x0] =	vst.add.f32.msk $0xffff, v3  }
0x50: {  	s15 =	sadd.s32 $0x40, s15;
	s16 =	sadd.s32 $0x200, s16;
	s17 =	sadd.s32 $0x8, s17;
	[tilespmem:s13+$0x0] =	vst.add.f32.msk $0xffff, v3  }
0x51: {  	[tilespmem:s2+$0x0] =	vst.add.f32.msk $0xffff, v0  }
0x52: {  	s9 =	smul.u32 $0x18, s9;
	[tilespmem:s6+$0x0] =	vst.add.f32.msk $0xffff, v0  }
0x53: {  	s0 =	rddreg [dreg:$0x4]  }
0x54: {  	s0 =	sor.u32 s0, s9  }
0x55: {  	s1 =	rddreg [dreg:$0x2];
	[tilespmem:s22+$0x0] =	vst.add.f32.msk $0xffff, v0;
	s0 =	sshll.u32 s0, $0x7  }
0x56: {  	s13 =	simm.s32 $0x6000;
	[tilespmem:s5+$0x0] =	vst.add.f32.msk $0xffff, v0;
	s0 =	sadd.s32 s1, s0  }
0x57: {  	[hbm4b:s0+s18] =	stream.strided.scatter [tilespmem:s13], [sflag:$0x7], $0x8000, s19, s18, $0x38;
	[tilespmem:$0x1E000] =	vst v63  }
0x58: {  	_ =	swait.ge [sflag:s26], $0x8000  }
0x59: {  	s14 =	rddreg [dreg:$0xc];
	[sflag:s26] =	ssyncset.done $0x0  }
0x5a: {  	s0 =	sadd.s32 s14, s8;
	[sflag:s26] =	ssyncadd.s32 $0xFFFF8000  }
0x5b: {  	s0 =	sshll.u32 s0, $0xA;
	s15 =	rddreg [dreg:$0x1]  }
0x5c: {  	s10 =	simm.s32 $0x0;
	s1 =	sadd.s32 s15, s0  }
0x5d: {  	[tilespmem:s10], [sflag:$0x1] =	stream.linear.gather [hbm4b:s1+s10], $0x2000, $0x38;
	[tilespmem:$0x1E000] =	vst v63  }
0x5e: {  	s0 =	sadd.s32 s24, s0  }
0x5f: {  	[tilespmem:s13], [sflag:$0x4] =	stream.strided.gather [hbm4b:s0+s18], $0x8000, s19, s18, $0x38;
	[tilespmem:$0x1E000] =	vst v63  }
0x60: {  	_ =	swait.ge [sflag:s28], $0x2000  }
0x61: {  	[sflag:s28] =	ssyncset.done $0x0  }
0x62: {  	s16 =	sand.u32 $0x1C00, s10;
	s17 =	sand.u32 $0x380, s10;
	[sflag:s28] =	ssyncadd.s32 $0xFFFFE000  }
0x63: {  	s20 =	sand.u32 $0x40, s10;
	s0 =	sor.u32 s17, s16;
	_ =	swait.ge [sflag:s29], $0x8000  }
0x64: {  	s3 =	sor.u32 $0x30, s20;
	s1 =	sor.u32 $0x2000, s0;
	[sflag:s29] =	ssyncset.done $0x0  }
0x65: {  	s4 =	sor.u32 s3, s1;
	[sflag:s29] =	ssyncadd.s32 $0xFFFF8000  }
0x66: {  	s21 =	sor.u32 s20, s1;
	v2 =	vld [tilespmem:s4+$0x0]  }
0x67: {  	s4 =	sor.u32 $0x10, s20;
	v3 =	vld [tilespmem:s21+$0x0]  }
0x68: {  	s12 =	sor.u32 $0x20, s20;
	s22 =	sor.u32 s4, s1  }
0x69: {  	s5 =	sor.u32 $0xE000, s0;
	s1 =	sor.u32 s12, s1;
	v1 =	vld [tilespmem:s22+$0x0]  }
0x6a: {  	s23 =	sor.u32 s3, s5;
	v0 =	vld [tilespmem:s1+$0x0]  }
0x6b: {  	s15 =	sor.u32 s20, s5;
	s1 =	sor.u32 $0x10000, s0;
	[tilespmem:s23+$0x0] =	vst.add.f32.msk $0xffff, v2  }
0x6c: {  	s11 =	sor.u32 s3, s1;
	[tilespmem:s15+$0x0] =	vst.add.f32.msk $0xffff, v3  }
0x6d: {  	s13 =	sor.u32 $0x12000, s0;
	s16 =	sor.u32 s20, s1;
	[tilespmem:s11+$0x0] =	vst.add.f32.msk $0xffff, v2  }
0x6e: {  	s14 =	sor.u32 s3, s13;
	[tilespmem:s16+$0x0] =	vst.add.f32.msk $0xffff, v3  }
0x6f: {  	s17 =	sor.u32 s20, s13;
	s0 =	sor.u32 $0x14000, s0;
	[tilespmem:s14+$0x0] =	vst.add.f32.msk $0xffff, v2  }
0x70: {  	s2 =	sor.u32 s20, s0;
	s20 =	sor.u32 s4, s5;
	[tilespmem:s17+$0x0] =	vst.add.f32.msk $0xffff, v3  }
0x71: {  	s3 =	sor.u32 s3, s0;
	[tilespmem:s20+$0x0] =	vst.add.f32.msk $0xffff, v1  }
0x72: {  	s31 =	smov.u32 s24;
	s24 =	simm.s32 $0x6000;
	s21 =	sor.u32 s4, s1;
	[tilespmem:s3+$0x0] =	vst.add.f32.msk $0xffff, v2  }
0x73: {  	s22 =	sor.u32 s4, s0;
	s6 =	sor.u32 s12, s1;
	s15 =	simm.s32 $0x0;
	[tilespmem:s2+$0x0] =	vst.add.f32.msk $0xffff, v3  }
0x74: {  	s23 =	sor.u32 s4, s13;
	s11 =	sor.u32 s12, s5;
	s5 =	sor.u32 s12, s13;
	[tilespmem:s21+$0x0] =	vst.add.f32.msk $0xffff, v1  }
0x75: {  	s16 =	simm.s32 $0x200;
	s17 =	simm.s32 $0x8;
	s2 =	sor.u32 s12, s0;
	[tilespmem:s23+$0x0] =	vst.add.f32.msk $0xffff, v1  }
.LBB2_5:
0x76: {  	s0 =	sand.u32 $0x1C00, s16;
	s1 =	sand.u32 $0x380, s17;
	[tilespmem:s22+$0x0] =	vst.add.f32.msk $0xffff, v1;
	s10 =	sadd.s32 $0x40, s10  }
0x77: {  	s3 =	sand.u32 $0x40, s10;
	s0 =	sor.u32 s1, s0;
	[tilespmem:s11+$0x0] =	vst.add.f32.msk $0xffff, v0  }
0x78: {  	s1 =	sor.u32 $0x2000, s0;
	s4 =	sor.u32 $0x10, s3;
	s11 =	sor.u32 $0x30, s3;
	[tilespmem:s6+$0x0] =	vst.add.f32.msk $0xffff, v0  }
0x79: {  	s15 =	sadd.s32 $0x4, s15;
	s12 =	sor.u32 $0x20, s3;
	s6 =	sor.u32 s11, s1;
	[tilespmem:s5+$0x0] =	vst.add.f32.msk $0xffff, v0  }
0x7a: {  	p1 =	slt.u32 s15, $0x1FC;
	s5 =	sor.u32 s3, s1;
	s13 =	sor.u32 s4, s1;
	v2 =	vld [tilespmem:s6+$0x0]  }
0x7b: {  	s1 =	sor.u32 s12, s1;
	v3 =	vld [tilespmem:s5+$0x0]  }
0x7c: {  	v1 =	vld [tilespmem:s13+$0x0]  }
0x7d: {  	s5 =	sor.u32 $0xE000, s0;
	v4 =	vld [tilespmem:s1+$0x0]  }
0x7e: {  	s6 =	sor.u32 $0x10000, s0;
	s13 =	sor.u32 s11, s5;
	s1 =	sor.u32 s3, s5;
	[tilespmem:s2+$0x0] =	vst.add.f32.msk $0xffff, v0  }
0x7f: {  	s14 =	sor.u32 $0x12000, s0;
	s2 =	sor.u32 s3, s6;
	[tilespmem:s13+$0x0] =	vst.add.f32.msk $0xffff, v2;
	s13 =	sor.u32 s11, s6  }
0x80: {  	s20 =	sor.u32 s3, s14;
	s0 =	sor.u32 $0x14000, s0;
	[tilespmem:s13+$0x0] =	vst.add.f32.msk $0xffff, v2;
	s13 =	sor.u32 s11, s14  }
0x81: {  	s21 =	sor.u32 s4, s5;
	s3 =	sor.u32 s3, s0;
	s11 =	sor.u32 s11, s0;
	[tilespmem:s13+$0x0] =	vst.add.f32.msk $0xffff, v2  }
0x82: {  	s23 =	sor.u32 s4, s14;
	s22 =	sor.u32 s4, s0;
	s13 =	sor.u32 s4, s6;
	[tilespmem:s11+$0x0] =	vst.add.f32.msk $0xffff, v2;
	v0 =	vmov v4  }
0x83: {  	s6 =	sor.u32 s12, s6;
	s11 =	sor.u32 s12, s5;
	s5 =	sor.u32 s12, s14;
	[tilespmem:s1+$0x0] =	vst.add.f32.msk $0xffff, v3  }
0x84: {  	[tilespmem:s2+$0x0] =	vst.add.f32.msk $0xffff, v3;
	s2 =	sor.u32 s12, s0  }
.Ltmp1:
0x85: {  	[tilespmem:s20+$0x0] =	vst.add.f32.msk $0xffff, v3;
	(pc) =	sbr.rel @p1 .LBB2_5-.Ltmp1, $4  }
0x86: {  	[tilespmem:s3+$0x0] =	vst.add.f32.msk $0xffff, v3  }
0x87: {  	[tilespmem:s21+$0x0] =	vst.add.f32.msk $0xffff, v1  }
0x88: {  	[tilespmem:s13+$0x0] =	vst.add.f32.msk $0xffff, v1  }
0x89: {  	s16 =	sadd.s32 $0x200, s16;
	s17 =	sadd.s32 $0x8, s17;
	[tilespmem:s23+$0x0] =	vst.add.f32.msk $0xffff, v1  }
0x8a: {  	[tilespmem:s22+$0x0] =	vst.add.f32.msk $0xffff, v1  }
0x8b: {  	[tilespmem:s11+$0x0] =	vst.add.f32.msk $0xffff, v0  }
0x8c: {  	[tilespmem:s6+$0x0] =	vst.add.f32.msk $0xffff, v0  }
0x8d: {  	s0 =	rddreg [dreg:$0x9]  }
0x8e: {  	s0 =	sadd.s32 s0, s9  }
0x8f: {  	s1 =	rddreg [dreg:$0x2];
	[tilespmem:s5+$0x0] =	vst.add.f32.msk $0xffff, v0;
	s0 =	sshll.u32 s0, $0x7  }
0x90: {  	s22 =	simm.s32 $0xE000;
	[tilespmem:s2+$0x0] =	vst.add.f32.msk $0xffff, v0;
	s0 =	sadd.s32 s1, s0  }
0x91: {  	[hbm4b:s0+s18] =	stream.strided.scatter [tilespmem:s22], [sflag:$0x8], $0x8000, s19, s18, $0x38;
	[tilespmem:$0x1E000] =	vst v63  }
0x92: {  	s15 =	rddreg [dreg:$0xa];
	_ =	swait.ge [sflag:s30], $0x8000  }
0x93: {  	s0 =	sor.u32 s15, s8;
	[sflag:s30] =	ssyncset.done $0x0  }
0x94: {  	s0 =	sshll.u32 s0, $0xA;
	[sflag:s30] =	ssyncadd.s32 $0xFFFF8000  }
0x95: {  	s0 =	sor.u32 $0x1000, s0;
	s16 =	rddreg [dreg:$0x1]  }
0x96: {  	s8 =	simm.s32 $0x0;
	s1 =	sadd.s32 s16, s0  }
0x97: {  	[tilespmem:s18], [sflag:$0x2] =	stream.linear.gather [hbm4b:s1+s8], $0x2000, $0x38;
	[tilespmem:$0x1E000] =	vst v63  }
0x98: {  	s17 =	simm.s32 $0x3;
	s0 =	sadd.s32 s31, s0  }
0x99: {  	[tilespmem:s22], [sflag:$0x5] =	stream.strided.gather [hbm4b:s0+s18], $0x8000, s19, s18, $0x38;
	[tilespmem:$0x1E000] =	vst v63  }
0x9a: {  	_ =	swait.ge [sflag:s17], $0x2000  }
0x9b: {  	s4 =	simm.s32 $0x6;
	[sflag:s17] =	ssyncset.done $0x0  }
0x9c: {  	s20 =	sand.u32 $0x1C00, s8;
	s21 =	sand.u32 $0x380, s8;
	[sflag:s17] =	ssyncadd.s32 $0xFFFFE000  }
0x9d: {  	s23 =	sand.u32 $0x40, s8;
	s0 =	sor.u32 s21, s20;
	_ =	swait.ge [sflag:s4], $0x8000  }
0x9e: {  	s3 =	sor.u32 $0x30, s23;
	s1 =	sor.u32 $0x4000, s0;
	[sflag:s4] =	ssyncset.done $0x0  }
0x9f: {  	s5 =	sor.u32 s3, s1;
	[sflag:s4] =	ssyncadd.s32 $0xFFFF8000  }
0xa0: {  	s6 =	sor.u32 s23, s1;
	v2 =	vld [tilespmem:s5+$0x0]  }
0xa1: {  	s4 =	sor.u32 $0x10, s23;
	v3 =	vld [tilespmem:s6+$0x0]  }
0xa2: {  	s10 =	sor.u32 $0x20, s23;
	s9 =	sor.u32 s4, s1  }
0xa3: {  	s1 =	sor.u32 s10, s1;
	s5 =	sor.u32 $0x16000, s0;
	v1 =	vld [tilespmem:s9+$0x0]  }
0xa4: {  	v0 =	vld [tilespmem:s1+$0x0];
	s11 =	sor.u32 s3, s5  }
0xa5: {  	s1 =	sor.u32 $0x18000, s0;
	s15 =	sor.u32 s23, s5;
	[tilespmem:s11+$0x0] =	vst.add.f32.msk $0xffff, v2  }
0xa6: {  	s13 =	sor.u32 s3, s1;
	[tilespmem:s15+$0x0] =	vst.add.f32.msk $0xffff, v3  }
0xa7: {  	s16 =	sor.u32 s23, s1;
	[tilespmem:s13+$0x0] =	vst.add.f32.msk $0xffff, v2  }
0xa8: {  	s12 =	sor.u32 $0x1A000, s0;
	s20 =	sor.u32 s4, s5;
	[tilespmem:s16+$0x0] =	vst.add.f32.msk $0xffff, v3  }
0xa9: {  	s14 =	sor.u32 s3, s12;
	[tilespmem:s20+$0x0] =	vst.add.f32.msk $0xffff, v1  }
0xaa: {  	s17 =	sor.u32 s23, s12;
	[tilespmem:s14+$0x0] =	vst.add.f32.msk $0xffff, v2  }
0xab: {  	s0 =	sor.u32 $0x1C000, s0;
	s21 =	sor.u32 s4, s1;
	[tilespmem:s17+$0x0] =	vst.add.f32.msk $0xffff, v3  }
0xac: {  	s9 =	simm.s32 $0x0;
	s3 =	sor.u32 s3, s0;
	s2 =	sor.u32 s23, s0;
	[tilespmem:s21+$0x0] =	vst.add.f32.msk $0xffff, v1  }
0xad: {  	s23 =	sor.u32 s4, s12;
	s6 =	sor.u32 s10, s1;
	s11 =	sor.u32 s10, s5;
	[tilespmem:s3+$0x0] =	vst.add.f32.msk $0xffff, v2  }
0xae: {  	s5 =	sor.u32 s10, s12;
	s15 =	simm.s32 $0x8;
	s16 =	sor.u32 s4, s0;
	[tilespmem:s2+$0x0] =	vst.add.f32.msk $0xffff, v3  }
0xaf: {  	s2 =	sor.u32 s10, s0;
	[tilespmem:s23+$0x0] =	vst.add.f32.msk $0xffff, v1;
	s10 =	simm.s32 $0x200;
	s23 =	simm.s32 $0x16000  }
.LBB2_7:
0xb0: {  	s0 =	sand.u32 $0x1C00, s10;
	s1 =	sand.u32 $0x380, s15;
	[tilespmem:s16+$0x0] =	vst.add.f32.msk $0xffff, v1;
	s8 =	sadd.s32 $0x40, s8  }
0xb1: {  	s3 =	sand.u32 $0x40, s8;
	s0 =	sor.u32 s1, s0;
	[tilespmem:s11+$0x0] =	vst.add.f32.msk $0xffff, v0  }
0xb2: {  	s1 =	sor.u32 $0x4000, s0;
	s4 =	sor.u32 $0x10, s3;
	s11 =	sor.u32 $0x30, s3;
	[tilespmem:s6+$0x0] =	vst.add.f32.msk $0xffff, v0  }
0xb3: {  	s9 =	sadd.s32 $0x4, s9;
	s12 =	sor.u32 $0x20, s3;
	s6 =	sor.u32 s11, s1;
	[tilespmem:s5+$0x0] =	vst.add.f32.msk $0xffff, v0  }
0xb4: {  	p1 =	slt.u32 s9, $0x1FC;
	s5 =	sor.u32 s3, s1;
	s13 =	sor.u32 s4, s1;
	v2 =	vld [tilespmem:s6+$0x0]  }
0xb5: {  	s1 =	sor.u32 s12, s1;
	v3 =	vld [tilespmem:s5+$0x0]  }
0xb6: {  	v1 =	vld [tilespmem:s13+$0x0]  }
0xb7: {  	s5 =	sor.u32 $0x16000, s0;
	v4 =	vld [tilespmem:s1+$0x0]  }
0xb8: {  	s6 =	sor.u32 $0x18000, s0;
	s13 =	sor.u32 s11, s5;
	s1 =	sor.u32 s3, s5;
	[tilespmem:s2+$0x0] =	vst.add.f32.msk $0xffff, v0  }
0xb9: {  	s14 =	sor.u32 $0x1A000, s0;
	s2 =	sor.u32 s3, s6;
	[tilespmem:s13+$0x0] =	vst.add.f32.msk $0xffff, v2;
	s13 =	sor.u32 s11, s6  }
0xba: {  	s17 =	sor.u32 s3, s14;
	s0 =	sor.u32 $0x1C000, s0;
	[tilespmem:s13+$0x0] =	vst.add.f32.msk $0xffff, v2;
	s13 =	sor.u32 s11, s14  }
0xbb: {  	s20 =	sor.u32 s4, s5;
	s3 =	sor.u32 s3, s0;
	s11 =	sor.u32 s11, s0;
	[tilespmem:s13+$0x0] =	vst.add.f32.msk $0xffff, v2  }
0xbc: {  	s21 =	sor.u32 s4, s14;
	s16 =	sor.u32 s4, s0;
	s13 =	sor.u32 s4, s6;
	[tilespmem:s11+$0x0] =	vst.add.f32.msk $0xffff, v2;
	v0 =	vmov v4  }
0xbd: {  	s6 =	sor.u32 s12, s6;
	s11 =	sor.u32 s12, s5;
	s5 =	sor.u32 s12, s14;
	[tilespmem:s1+$0x0] =	vst.add.f32.msk $0xffff, v3  }
0xbe: {  	[tilespmem:s2+$0x0] =	vst.add.f32.msk $0xffff, v3;
	s2 =	sor.u32 s12, s0  }
.Ltmp2:
0xbf: {  	[tilespmem:s17+$0x0] =	vst.add.f32.msk $0xffff, v3;
	(pc) =	sbr.rel @p1 .LBB2_7-.Ltmp2, $4  }
0xc0: {  	[tilespmem:s3+$0x0] =	vst.add.f32.msk $0xffff, v3  }
0xc1: {  	[tilespmem:s20+$0x0] =	vst.add.f32.msk $0xffff, v1  }
0xc2: {  	[tilespmem:s13+$0x0] =	vst.add.f32.msk $0xffff, v1  }
0xc3: {  	s10 =	sadd.s32 $0x200, s10;
	s15 =	sadd.s32 $0x8, s15;
	[tilespmem:s21+$0x0] =	vst.add.f32.msk $0xffff, v1  }
0xc4: {  	[tilespmem:s16+$0x0] =	vst.add.f32.msk $0xffff, v1  }
.Ltmp3:
0xc5: {  	[tilespmem:s11+$0x0] =	vst.add.f32.msk $0xffff, v0;
	(pc) =	sbr.rel @p0 .LBB2_2-.Ltmp3, $4  }
0xc6: {  	[tilespmem:s6+$0x0] =	vst.add.f32.msk $0xffff, v0  }
0xc7: {  	s0 =	rddreg [dreg:$0x2];
	[tilespmem:s5+$0x0] =	vst.add.f32.msk $0xffff, v0  }
0xc8: {  	s9 =	simm.s32 $0x1;
	p1 =	por $0x0, $0x0;
	s0 =	sadd.s32 s0, s7;
	[tilespmem:s2+$0x0] =	vst.add.f32.msk $0xffff, v0  }
0xc9: {  	[hbm4b:s0+s18] =	stream.strided.scatter [tilespmem:s23], [sflag:$0x9], $0x8000, s19, s18, $0x38;
	[tilespmem:$0x1E000] =	vst v63  }
0xca: {  	s0 =	simm.s32 $0x1  }
0xcb: {  	_ =	swait.ge [sflag:s0], $0x2000  }
0xcc: {  	s6 =	simm.s32 $0x0;
	[sflag:s0] =	ssyncset.done $0x0  }
0xcd: {  	s1 =	sand.u32 $0x40, s6;
	[sflag:s0] =	ssyncadd.s32 $0xFFFFE000  }
0xce: {  	s2 =	sand.u32 $0x1C00, s6;
	s0 =	sand.u32 $0x380, s6;
	_ =	swait.ge [sflag:s25], $0x8000  }
0xcf: {  	s7 =	sor.u32 $0x30, s1;
	s0 =	sor.u32 s0, s2;
	[sflag:s25] =	ssyncset.done $0x0  }
0xd0: {  	s3 =	sor.u32 s7, s0;
	[sflag:s25] =	ssyncadd.s32 $0xFFFF8000  }
0xd1: {  	s4 =	sor.u32 $0x10, s1;
	s5 =	sor.u32 s1, s0;
	v1 =	vld [tilespmem:s3+$0x0]  }
0xd2: {  	s6 =	sor.u32 s4, s0;
	v2 =	vld [tilespmem:s5+$0x0]  }
0xd3: {  	s8 =	sor.u32 $0x20, s1;
	v3 =	vld [tilespmem:s6+$0x0]  }
0xd4: {  	s9 =	sor.u32 s8, s0  }
0xd5: {  	v0 =	vld [tilespmem:s9+$0x0];
	s3 =	sor.u32 $0x6000, s3  }
0xd6: {  	s14 =	sor.u32 $0x6000, s5;
	[tilespmem:s3+$0x0] =	vst.add.f32.msk $0xffff, v1  }
0xd7: {  	s10 =	sor.u32 $0x8000, s0;
	s17 =	sor.u32 $0x6000, s6;
	[tilespmem:s14+$0x0] =	vst.add.f32.msk $0xffff, v2  }
0xd8: {  	s12 =	sor.u32 s7, s10;
	[tilespmem:s17+$0x0] =	vst.add.f32.msk $0xffff, v3  }
0xd9: {  	s15 =	sor.u32 s1, s10;
	[tilespmem:s12+$0x0] =	vst.add.f32.msk $0xffff, v1  }
0xda: {  	s11 =	sor.u32 $0xA000, s0;
	s20 =	sor.u32 s4, s10;
	[tilespmem:s15+$0x0] =	vst.add.f32.msk $0xffff, v2  }
0xdb: {  	s13 =	sor.u32 s7, s11;
	[tilespmem:s20+$0x0] =	vst.add.f32.msk $0xffff, v3  }
0xdc: {  	s16 =	sor.u32 s1, s11;
	[tilespmem:s13+$0x0] =	vst.add.f32.msk $0xffff, v1  }
0xdd: {  	s0 =	sor.u32 $0xC000, s0;
	s21 =	sor.u32 s4, s11;
	[tilespmem:s16+$0x0] =	vst.add.f32.msk $0xffff, v2  }
0xde: {  	s2 =	sor.u32 s7, s0;
	s1 =	sor.u32 s1, s0;
	[tilespmem:s21+$0x0] =	vst.add.f32.msk $0xffff, v3  }
0xdf: {  	s7 =	simm.s32 $0x0;
	s4 =	sor.u32 s4, s0;
	s6 =	sor.u32 s8, s10;
	[tilespmem:s2+$0x0] =	vst.add.f32.msk $0xffff, v1  }
0xe0: {  	s5 =	sor.u32 s8, s0;
	s10 =	simm.s32 $0x8;
	s15 =	sor.u32 s8, s11;
	[tilespmem:s1+$0x0] =	vst.add.f32.msk $0xffff, v2  }
0xe1: {  	s8 =	simm.s32 $0x40;
	s2 =	sor.u32 $0x6000, s9;
	[tilespmem:s4+$0x0] =	vst.add.f32.msk $0xffff, v3;
	s9 =	simm.s32 $0x200  }
.LBB2_10:
0xe2: {  	s0 =	sand.u32 $0x40, s8;
	s1 =	sand.u32 $0x1C00, s9;
	s3 =	sand.u32 $0x380, s10;
	[tilespmem:s2+$0x0] =	vst.add.f32.msk $0xffff, v0  }
0xe3: {  	s1 =	sor.u32 s3, s1;
	s3 =	sor.u32 $0x10, s0;
	s4 =	sor.u32 $0x30, s0;
	[tilespmem:s6+$0x0] =	vst.add.f32.msk $0xffff, v0  }
0xe4: {  	s11 =	sor.u32 $0x20, s0;
	s2 =	sor.u32 s0, s1;
	s6 =	sor.u32 s4, s1;
	[tilespmem:s15+$0x0] =	vst.add.f32.msk $0xffff, v0  }
0xe5: {  	s7 =	sadd.s32 $0x4, s7;
	s12 =	sor.u32 s3, s1;
	s13 =	sor.u32 s11, s1;
	v1 =	vld [tilespmem:s6+$0x0]  }
0xe6: {  	p0 =	slt.u32 s7, $0x1FC;
	s14 =	sor.u32 $0x6000, s2;
	s16 =	sor.u32 $0x6000, s12;
	v2 =	vld [tilespmem:s2+$0x0]  }
0xe7: {  	s2 =	sor.u32 $0x6000, s13;
	v3 =	vld [tilespmem:s12+$0x0]  }
0xe8: {  	v4 =	vld [tilespmem:s13+$0x0]  }
0xe9: {  	s6 =	sor.u32 $0x6000, s6;
	s12 =	sor.u32 $0x8000, s1;
	[tilespmem:s5+$0x0] =	vst.add.f32.msk $0xffff, v0  }
0xea: {  	s13 =	sor.u32 s0, s12;
	s5 =	sor.u32 $0xA000, s1;
	[tilespmem:s6+$0x0] =	vst.add.f32.msk $0xffff, v1;
	s6 =	sor.u32 s4, s12  }
0xeb: {  	s1 =	sor.u32 $0xC000, s1;
	s17 =	sor.u32 s0, s5;
	[tilespmem:s6+$0x0] =	vst.add.f32.msk $0xffff, v1;
	s6 =	sor.u32 s4, s5  }
0xec: {  	s20 =	sor.u32 s3, s12;
	s0 =	sor.u32 s0, s1;
	s4 =	sor.u32 s4, s1;
	[tilespmem:s6+$0x0] =	vst.add.f32.msk $0xffff, v1  }
0xed: {  	s21 =	sor.u32 s3, s5;
	s3 =	sor.u32 s3, s1;
	s6 =	sor.u32 s11, s12;
	[tilespmem:s4+$0x0] =	vst.add.f32.msk $0xffff, v1;
	v0 =	vmov v4  }
0xee: {  	s15 =	sor.u32 s11, s5;
	s5 =	sor.u32 s11, s1;
	[tilespmem:s14+$0x0] =	vst.add.f32.msk $0xffff, v2  }
0xef: {  	[tilespmem:s13+$0x0] =	vst.add.f32.msk $0xffff, v2  }
0xf0: {  	[tilespmem:s17+$0x0] =	vst.add.f32.msk $0xffff, v2  }
.Ltmp4:
0xf1: {  	[tilespmem:s0+$0x0] =	vst.add.f32.msk $0xffff, v2;
	(pc) =	sbr.rel @p0 .LBB2_10-.Ltmp4, $4  }
0xf2: {  	[tilespmem:s16+$0x0] =	vst.add.f32.msk $0xffff, v3  }
0xf3: {  	[tilespmem:s20+$0x0] =	vst.add.f32.msk $0xffff, v3  }
0xf4: {  	[tilespmem:s21+$0x0] =	vst.add.f32.msk $0xffff, v3  }
0xf5: {  	s8 =	sadd.s32 $0x40, s8;
	s9 =	sadd.s32 $0x200, s9;
	s10 =	sadd.s32 $0x8, s10;
	[tilespmem:s3+$0x0] =	vst.add.f32.msk $0xffff, v3  }
0xf6: {  	[tilespmem:s2+$0x0] =	vst.add.f32.msk $0xffff, v0  }
0xf7: {  	[tilespmem:s6+$0x0] =	vst.add.f32.msk $0xffff, v0  }
0xf8: {  	[tilespmem:s15+$0x0] =	vst.add.f32.msk $0xffff, v0  }
0xf9: {  	[tilespmem:s5+$0x0] =	vst.add.f32.msk $0xffff, v0  }
0xfa: {  	s0 =	rddreg [dreg:$0xd]  }
0xfb: {  	[hbm4b:s0+s18] =	stream.strided.scatter [tilespmem:s24], [sflag:$0x7], $0x8000, s19, s18, $0x38;
	[tilespmem:$0x1E000] =	vst v63  }
0xfc: {  	_ =	swait.ge [sflag:s28], $0x2000  }
0xfd: {  	s7 =	simm.s32 $0x0;
	[sflag:s28] =	ssyncset.done $0x0  }
0xfe: {  	s6 =	sand.u32 $0x1C00, s7;
	s1 =	sand.u32 $0x380, s7;
	[sflag:s28] =	ssyncadd.s32 $0xFFFFE000  }
0xff: {  	s8 =	sand.u32 $0x40, s7;
	s0 =	sor.u32 s1, s6;
	_ =	swait.ge [sflag:s29], $0x8000  }
0x100: {  	s3 =	sor.u32 $0x30, s8;
	s1 =	sor.u32 $0x2000, s0;
	[sflag:s29] =	ssyncset.done $0x0  }
0x101: {  	s4 =	sor.u32 s3, s1;
	[sflag:s29] =	ssyncadd.s32 $0xFFFF8000  }
0x102: {  	s10 =	sor.u32 s8, s1;
	v2 =	vld [tilespmem:s4+$0x0]  }
0x103: {  	s4 =	sor.u32 $0x10, s8;
	v3 =	vld [tilespmem:s10+$0x0]  }
0x104: {  	s9 =	sor.u32 $0x20, s8;
	s11 =	sor.u32 s4, s1  }
0x105: {  	s5 =	sor.u32 $0xE000, s0;
	s1 =	sor.u32 s9, s1;
	v1 =	vld [tilespmem:s11+$0x0]  }
0x106: {  	s12 =	sor.u32 s3, s5;
	v0 =	vld [tilespmem:s1+$0x0]  }
0x107: {  	s15 =	sor.u32 s8, s5;
	s1 =	sor.u32 $0x10000, s0;
	[tilespmem:s12+$0x0] =	vst.add.f32.msk $0xffff, v2  }
0x108: {  	s13 =	sor.u32 s3, s1;
	[tilespmem:s15+$0x0] =	vst.add.f32.msk $0xffff, v3  }
0x109: {  	s10 =	sor.u32 $0x12000, s0;
	s16 =	sor.u32 s8, s1;
	[tilespmem:s13+$0x0] =	vst.add.f32.msk $0xffff, v2  }
0x10a: {  	s14 =	sor.u32 s3, s10;
	[tilespmem:s16+$0x0] =	vst.add.f32.msk $0xffff, v3  }
0x10b: {  	s17 =	sor.u32 s8, s10;
	[tilespmem:s14+$0x0] =	vst.add.f32.msk $0xffff, v2  }
0x10c: {  	s20 =	sor.u32 s4, s5;
	s0 =	sor.u32 $0x14000, s0;
	[tilespmem:s17+$0x0] =	vst.add.f32.msk $0xffff, v3  }
0x10d: {  	s3 =	sor.u32 s3, s0;
	[tilespmem:s20+$0x0] =	vst.add.f32.msk $0xffff, v1  }
0x10e: {  	s11 =	sor.u32 s4, s10;
	s2 =	sor.u32 s8, s0;
	[tilespmem:s3+$0x0] =	vst.add.f32.msk $0xffff, v2  }
0x10f: {  	s8 =	simm.s32 $0x0;
	s21 =	sor.u32 s4, s1;
	s6 =	sor.u32 s9, s1;
	[tilespmem:s2+$0x0] =	vst.add.f32.msk $0xffff, v3  }
0x110: {  	s15 =	sor.u32 s4, s0;
	s16 =	sor.u32 s9, s5;
	s5 =	sor.u32 s9, s10;
	[tilespmem:s21+$0x0] =	vst.add.f32.msk $0xffff, v1  }
0x111: {  	s10 =	simm.s32 $0x8;
	s2 =	sor.u32 s9, s0;
	s9 =	simm.s32 $0x200;
	[tilespmem:s11+$0x0] =	vst.add.f32.msk $0xffff, v1  }
.LBB2_12:
0x112: {  	s0 =	sand.u32 $0x1C00, s9;
	s1 =	sand.u32 $0x380, s10;
	[tilespmem:s15+$0x0] =	vst.add.f32.msk $0xffff, v1;
	s7 =	sadd.s32 $0x40, s7  }
0x113: {  	s3 =	sand.u32 $0x40, s7;
	s0 =	sor.u32 s1, s0;
	[tilespmem:s16+$0x0] =	vst.add.f32.msk $0xffff, v0  }
0x114: {  	s1 =	sor.u32 $0x2000, s0;
	s4 =	sor.u32 $0x10, s3;
	s11 =	sor.u32 $0x30, s3;
	[tilespmem:s6+$0x0] =	vst.add.f32.msk $0xffff, v0  }
0x115: {  	s8 =	sadd.s32 $0x4, s8;
	s12 =	sor.u32 $0x20, s3;
	s6 =	sor.u32 s11, s1;
	[tilespmem:s5+$0x0] =	vst.add.f32.msk $0xffff, v0  }
0x116: {  	p0 =	slt.u32 s8, $0x1FC;
	s5 =	sor.u32 s3, s1;
	s13 =	sor.u32 s4, s1;
	v2 =	vld [tilespmem:s6+$0x0]  }
0x117: {  	s1 =	sor.u32 s12, s1;
	v3 =	vld [tilespmem:s5+$0x0]  }
0x118: {  	v1 =	vld [tilespmem:s13+$0x0]  }
0x119: {  	s5 =	sor.u32 $0xE000, s0;
	v4 =	vld [tilespmem:s1+$0x0]  }
0x11a: {  	s6 =	sor.u32 $0x10000, s0;
	s13 =	sor.u32 s11, s5;
	s1 =	sor.u32 s3, s5;
	[tilespmem:s2+$0x0] =	vst.add.f32.msk $0xffff, v0  }
0x11b: {  	s14 =	sor.u32 $0x12000, s0;
	s2 =	sor.u32 s3, s6;
	[tilespmem:s13+$0x0] =	vst.add.f32.msk $0xffff, v2;
	s13 =	sor.u32 s11, s6  }
0x11c: {  	s17 =	sor.u32 s3, s14;
	s0 =	sor.u32 $0x14000, s0;
	[tilespmem:s13+$0x0] =	vst.add.f32.msk $0xffff, v2;
	s13 =	sor.u32 s11, s14  }
0x11d: {  	s20 =	sor.u32 s4, s5;
	s3 =	sor.u32 s3, s0;
	s11 =	sor.u32 s11, s0;
	[tilespmem:s13+$0x0] =	vst.add.f32.msk $0xffff, v2  }
0x11e: {  	s21 =	sor.u32 s4, s14;
	s15 =	sor.u32 s4, s0;
	s13 =	sor.u32 s4, s6;
	[tilespmem:s11+$0x0] =	vst.add.f32.msk $0xffff, v2;
	v0 =	vmov v4  }
0x11f: {  	s16 =	sor.u32 s12, s5;
	s5 =	sor.u32 s12, s14;
	s6 =	sor.u32 s12, s6;
	[tilespmem:s1+$0x0] =	vst.add.f32.msk $0xffff, v3  }
0x120: {  	[tilespmem:s2+$0x0] =	vst.add.f32.msk $0xffff, v3;
	s2 =	sor.u32 s12, s0  }
.Ltmp5:
0x121: {  	[tilespmem:s17+$0x0] =	vst.add.f32.msk $0xffff, v3;
	(pc) =	sbr.rel @p0 .LBB2_12-.Ltmp5, $4  }
0x122: {  	[tilespmem:s3+$0x0] =	vst.add.f32.msk $0xffff, v3  }
0x123: {  	[tilespmem:s20+$0x0] =	vst.add.f32.msk $0xffff, v1  }
0x124: {  	[tilespmem:s13+$0x0] =	vst.add.f32.msk $0xffff, v1  }
0x125: {  	s9 =	sadd.s32 $0x200, s9;
	s10 =	sadd.s32 $0x8, s10;
	[tilespmem:s21+$0x0] =	vst.add.f32.msk $0xffff, v1  }
0x126: {  	[tilespmem:s15+$0x0] =	vst.add.f32.msk $0xffff, v1  }
0x127: {  	[tilespmem:s16+$0x0] =	vst.add.f32.msk $0xffff, v0  }
0x128: {  	[tilespmem:s6+$0x0] =	vst.add.f32.msk $0xffff, v0  }
0x129: {  	[tilespmem:s5+$0x0] =	vst.add.f32.msk $0xffff, v0  }
0x12a: {  	[tilespmem:s2+$0x0] =	vst.add.f32.msk $0xffff, v0  }
0x12b: {  	s20 =	simm.s32 $0x9;
	s0 =	rddreg [dreg:$0xe]  }
0x12c: {  	[hbm4b:s0+s18] =	stream.strided.scatter [tilespmem:s22], [sflag:$0x8], $0x8000, s19, s18, $0x38;
	[tilespmem:$0x1E000] =	vst v63  }
0x12d: {  	_ =	swait.ge [sflag:s20], $0x8000  }
0x12e: {  	[sflag:s20] =	ssyncset.done $0x0  }
0x12f: {  	[sflag:s20] =	ssyncadd.s32 $0xFFFF8000  }
0x130: {  	_ =	swait.ge [sflag:s26], $0x8000  }
0x131: {  	[sflag:s26] =	ssyncset.done $0x0  }
0x132: {  	[sflag:s26] =	ssyncadd.s32 $0xFFFF8000  }
0x133: {  	_ =	swait.ge [sflag:s30], $0x8000  }
0x134: {  	s1 =	rddreg [dreg:$0x10]  }
0x135: {  	s21 =	rddreg [dreg:$0xf];
	s1 =	sadd.s32 $0x1, s1  }
0x136: {  	p0 =	sne.s32 s1, s21  }
.Ltmp6:
0x137: {  	_ = 	snop;
	(pc) =	sbr.rel @p0 .LBB2_1-.Ltmp6, $3  }
0x138: {  	_ =	sdelay $0x1  }
0x139: {  	[sflag:s30] =	ssyncset.done $0x0  }
0x13a: {  	[sflag:s30] =	ssyncadd.s32 $0xFFFF8000  }
0x13b: {  	_ =	sfence.sel $0x180000  }
0x13c: {  	[bflag:$0x0] =	sbarrier.arrive $0xFFFF  }
0x13d: {  	_ =	strace $0x90000047  }
0x13e: {  	s0 =	stileid.u32;
	[bflag:$0x2] =	sbarrier.arrive $0xFFFF  }
0x13f: {  	p0 =	sne.s32 s0, $0x0;
	s0 =	rddreg [dreg:$0x3]  }
0x140: {  	s0 =	sadd.s32 @!p0 $0x100000, s0  }
0x141: {  	[sflag:s0] =	ssyncadd.tile.s32 @!p0 $0x1;
	_ =	shalt  }
.Lfunc_end2:
_tile_overlayer_lowered:
.L_overlay_start_2:
0x142: {  	(tag) =	ssettag $0x2  }
0x143: {  	s0 =	rddreg [dreg:$0x0];
	s2 =	stileid.u32  }
0x144: {  	s1 =	rddreg [dreg:$0x1];
	p0 =	sne.s32 s2, $0x0  }
0x145: {  	s3 =	rddreg [dreg:$0x2];
	[bflag:$0x3] =	sbarrier.arrive $0xFFFF;
	s2 =	simm.s32 @!p0 $0x1C0A  }
0x146: {  	[timem:s3], [sflag:s2] =	dma.local @!p0 [hbm:s0], s1  }
0x147: {  	s0 =	simm.s32 @!p0 $0xA  }
0x148: {  	_ =	swait.ge @!p0 [sflag:s0], s1  }
0x149: {  	s1 =	ssub.s32 @!p0 $0x0, s1;
	[sflag:s0] =	ssyncset.done @!p0 $0x0  }
0x14a: {  	[sflag:s0] =	ssyncadd.s32 @!p0 s1  }
0x14b: {  	[bflag:$0x3] =	sbarrier.arrive $0xFFFF  }
0x14c: {  	_ =	shalt  }

</sc_bundles>
